<compile_context>
chip_gen: v7x
topology: tpu7x:2x2x1
jax: 0.10.2.dev20260603
libtpu: 0.0.44.dev20260713+nightly
codegen_flags: <defaults>
</compile_context>

<pallas_src>
import functools

import jax
import jax.numpy as jnp
from jax import lax
from jax.experimental import pallas as pl
from jax.experimental.pallas import tpu as pltpu
from jax.experimental.pallas import tpu_sc as plsc

_B = 4096 * 200
_V = 100
_D = 100

_CHUNK = 1024
_SUB = 256
_IVEC = 128


def _fold_body(table_ref, w1_ref, b1_ref, w2_ref, b2_ref, wh_ref, bh_ref,
               out_ref):
    h = jnp.dot(table_ref[...], w1_ref[...],
                preferred_element_type=jnp.float32) + b1_ref[...]
    h = jnp.dot(h, w2_ref[...], preferred_element_type=jnp.float32) + b2_ref[...]
    out_ref[...] = jnp.dot(h, wh_ref[...],
                           preferred_element_type=jnp.float32) + bh_ref[...]


def _fold_table(table, W1, b1, W2, b2, Wh, bh):
    return pl.pallas_call(
        _fold_body,
        out_shape=jax.ShapeDtypeStruct((_V, _D), jnp.float32),
    )(table, W1, b1.reshape(1, -1), W2, b2.reshape(1, -1), Wh,
      bh.reshape(1, -1))


@functools.cache
def _build_gather():
    info = plsc.get_sparse_core_info()
    nc, ns = info.num_cores, info.num_subcores
    nw = nc * ns
    bpw = _B // nw
    n_chunks = bpw // _CHUNK
    n_vec = _CHUNK // _IVEC
    n_sub = _CHUNK // _SUB
    v_per_sub = _SUB // _IVEC
    mesh = plsc.VectorSubcoreMesh(core_axis_name="c", subcore_axis_name="s")

    @functools.partial(
        pl.kernel,
        mesh=mesh,
        out_type=jax.ShapeDtypeStruct((_B, _D), jnp.float32),
        scratch_types=[
            pltpu.VMEM((n_vec, _IVEC), jnp.int32),
            pltpu.VMEM_SHARED((_V, _D), jnp.float32),
            pltpu.VMEM((_SUB, _D), jnp.float32),
            pltpu.VMEM((_SUB, _D), jnp.float32),
            pltpu.SemaphoreType.DMA,
            pltpu.SemaphoreType.DMA,
            pltpu.SemaphoreType.DMA,
            pltpu.SemaphoreType.DMA,
        ],
    )
    def gather_k(idx_hbm, tab_hbm, out_hbm, idx_v, c_sh, rows0_v, rows1_v,
                 sem_g, sem_i, sem_o0, sem_o1):
        sem_o = [sem_o0, sem_o1]
        rows_b = [rows0_v, rows1_v]
        sid = lax.axis_index("s")
        wid = sid * nc + lax.axis_index("c")
        base = wid * bpw

        @pl.when(sid == 0)
        def _stage():
            pltpu.sync_copy(tab_hbm, c_sh)

        plsc.subcore_barrier()

        def body(i, carry):
            off = base + i * _CHUNK
            pltpu.sync_copy(
                idx_hbm.at[pl.ds(pl.multiple_of(off // _IVEC, 8), n_vec)],
                idx_v)

            for s in range(n_sub):
                p = s % 2

                def _await_out():
                    pltpu.make_async_copy(
                        rows_b[p],
                        out_hbm.at[pl.ds(pl.multiple_of(base, 8), _SUB)],
                        sem_o[p]).wait()

                if s >= 2:
                    _await_out()
                else:
                    pl.when(i > 0)(_await_out)

                descs = [
                    pltpu.async_copy(
                        c_sh.at[idx_v.at[s * v_per_sub + j]],
                        rows_b[p].at[pl.ds(j * _IVEC, _IVEC)], sem_g)
                    for j in range(v_per_sub)
                ]
                for d in descs:
                    d.wait()
                pltpu.async_copy(
                    rows_b[p],
                    out_hbm.at[pl.ds(off + s * _SUB, _SUB)], sem_o[p])

            return carry

        lax.fori_loop(0, n_chunks, body, 0)
        for p in range(2):
            pltpu.make_async_copy(
                rows_b[p],
                out_hbm.at[pl.ds(pl.multiple_of(base, 8), _SUB)],
                sem_o[p]).wait()

    return gather_k


def kernel(x, table, W1, b1, W2, b2, Wh, bh):
    C = _fold_table(table, W1, b1, W2, b2, Wh, bh)
    idx = x.reshape(_B // _IVEC, _IVEC).astype(jnp.int32)
    out = _build_gather()(idx, C)
    return out.reshape(x.shape[0], x.shape[1], _D)

# --- scband reference (transcript-rebuilt; emitter-appended) ---
"""Pipeline reference for scband-simple-test-model-31155692765294 (READ-ONLY COPY).

The authoritative reference and input builder live on the scoring server;
editing this copy changes nothing except your own understanding.
"""

import jax, jax.numpy as jnp
import numpy as np


def setup_inputs(seed: int = 0) -> dict:
    key = jax.random.key(seed)
    ks = jax.random.split(key, 8)
    x = jax.random.randint(ks[0], (4096, 200), 0, 100)
    table = jax.random.normal(ks[1], (100, 32), dtype=jnp.float32)
    W1 = jax.random.normal(ks[2], (32, 64), dtype=jnp.float32) * 0.05
    b1 = jnp.zeros((64,), dtype=jnp.float32)
    W2 = jax.random.normal(ks[3], (64, 32), dtype=jnp.float32) * 0.05
    b2 = jnp.zeros((32,), dtype=jnp.float32)
    Wh = jax.random.normal(ks[4], (32, 100), dtype=jnp.float32) * 0.05
    bh = jnp.zeros((100,), dtype=jnp.float32)
    return {"x": x, "table": table, "W1": W1, "b1": b1, "W2": W2, "b2": b2, "Wh": Wh, "bh": bh}


def reference(x, table, W1, b1, W2, b2, Wh, bh):
    # embedding lookup (gather)
    h = jnp.take(table, x, axis=0)  # [B, L, 32]
    # linear1
    h = h @ W1 + b1                 # [B, L, 64]
    # linear2
    h = h @ W2 + b2                 # [B, L, 32]
    # lm_head
    out = h @ Wh + bh               # [B, L, 100]
    return out

if __name__ == "__main__":
    import jax
    _d = setup_inputs()
    print(jax.jit(kernel)(*tuple(_d.values())))

</pallas_src>

<mosaic_0001>
#map = affine_map<(d0, d1) -> (0, 0)>
module attributes {stable_mosaic.version = 14 : i64} {
  func.func @gather_k(%arg0: i32, %arg1: i32, %arg2: memref<6400x128xi32, #tpu.memory_space<hbm>>, %arg3: memref<100x100xf32, #tpu.memory_space<hbm>>, %arg4: memref<819200x100xf32, #tpu.memory_space<hbm>>, %arg5: memref<8x128xi32, #tpu.memory_space<vmem>>, %arg6: memref<100x100xf32, #tpu.memory_space<vmem_shared>>, %arg7: memref<256x100xf32, #tpu.memory_space<vmem>>, %arg8: memref<256x100xf32, #tpu.memory_space<vmem>>, %arg9: memref<!tpu.dma_semaphore, #tpu.memory_space<semaphore_mem>>, %arg10: memref<!tpu.dma_semaphore, #tpu.memory_space<semaphore_mem>>, %arg11: memref<!tpu.dma_semaphore, #tpu.memory_space<semaphore_mem>>, %arg12: memref<!tpu.dma_semaphore, #tpu.memory_space<semaphore_mem>>) attributes {dimension_semantics = [#tpu.dimension_semantics<core_parallel>, #tpu.dimension_semantics<subcore_parallel>], iteration_bounds = array<i64: 2, 16>, scalar_prefetch = 0 : i64, scratch_operands = 8 : i64, tpu.core_type = #tpu.core_type<sc_vector_subcore>, window_params = [{transform_indices = #map}, {transform_indices = #map}, {transform_indices = #map}]} {
    %mul3A = arith.constant 2 : i32
    %mul3A_0 = arith.muli %arg1, %mul3A : i32
    %add3A = arith.addi %mul3A_0, %arg0 : i32
    %mul3A_1 = arith.constant 25600 : i32
    %mul3A_2 = arith.muli %add3A, %mul3A_1 : i32
    %eq3A = arith.constant 0 : i32
    %eq3A_3 = arith.cmpi eq, %arg1, %eq3A : i32
    %convert_element_type3A = arith.extui %eq3A_3 : i1 to i32
    %cond3A = arith.constant 0 : i32
    %cond3A_4 = arith.cmpi ne, %convert_element_type3A, %cond3A : i32
    scf.if %cond3A_4 {
      "tpu.region"() ({
        %run_scoped3A = tpu.sem_alloc : memref<!tpu.dma_semaphore, #tpu.memory_space<semaphore_mem>>
        tpu.enqueue_dma source(%arg3 : memref<100x100xf32, #tpu.memory_space<hbm>>) target(%arg6 : memref<100x100xf32, #tpu.memory_space<vmem_shared>>) target_semaphore(%run_scoped3A : memref<!tpu.dma_semaphore, #tpu.memory_space<semaphore_mem>>)
        tpu.wait_dma2 semaphore(%run_scoped3A : memref<!tpu.dma_semaphore, #tpu.memory_space<semaphore_mem>>) src(%arg3 : memref<100x100xf32, #tpu.memory_space<hbm>>) dst(%arg6 : memref<100x100xf32, #tpu.memory_space<vmem_shared>>)
        tpu.yield
      }) : () -> ()
    } else {
    }
    %barrier3A = arith.constant 0 : index
    tpu.barrier barrier_id(%barrier3A)
    %scan3A = arith.constant 0 : i32
    %scan3A_5 = arith.constant 0 : i32
    %scan3A_6 = arith.constant 25 : i32
    %scan3A_7 = arith.addi %scan3A_5, %scan3A_6 : i32
    %scan3A_8 = arith.constant 1 : i32
    scf.for %scan3A_18 = %scan3A_5 to %scan3A_7 step %scan3A_8  : i32 {
      %mul3A_19 = arith.constant 1024 : i32
      %mul3A_20 = arith.muli %scan3A_18, %mul3A_19 : i32
      %add3A_21 = arith.addi %mul3A_2, %mul3A_20 : i32
      %jit3A = arith.constant 128 : i32
      %div3A = arith.divsi %add3A_21, %jit3A : i32
      %sign3A = arith.constant 0 : i32
      %sign3A_22 = arith.cmpi sgt, %add3A_21, %sign3A : i32
      %sign3A_23 = arith.extui %sign3A_22 : i1 to i32
      %sign3A_24 = arith.constant 0 : i32
      %sign3A_25 = arith.cmpi slt, %add3A_21, %sign3A_24 : i32
      %sign3A_26 = arith.extui %sign3A_25 : i1 to i32
      %sign3A_27 = arith.subi %sign3A_23, %sign3A_26 : i32
      %sign3A_28 = arith.constant 0 : i32
      %sign3A_29 = arith.cmpi sgt, %jit3A, %sign3A_28 : i32
      %sign3A_30 = arith.extui %sign3A_29 : i1 to i32
      %sign3A_31 = arith.constant 0 : i32
      %sign3A_32 = arith.cmpi slt, %jit3A, %sign3A_31 : i32
      %sign3A_33 = arith.extui %sign3A_32 : i1 to i32
      %sign3A_34 = arith.subi %sign3A_30, %sign3A_33 : i32
      %ne3A = arith.cmpi ne, %sign3A_27, %sign3A_34 : i32
      %rem3A = arith.remsi %add3A_21, %jit3A : i32
      %ne3A_35 = arith.constant 0 : i32
      %ne3A_36 = arith.cmpi ne, %rem3A, %ne3A_35 : i32
      %and3A = arith.andi %ne3A, %ne3A_36 : i1
      %sub3A = arith.constant 1 : i32
      %sub3A_37 = arith.subi %div3A, %sub3A : i32
      %select_n3A = arith.select %and3A, %sub3A_37, %div3A : i32
      %multiple_of3A_38 = tpu.assume_multiple %select_n3A, 8 : i32
      "tpu.region"() ({
        %run_scoped3A = tpu.sem_alloc : memref<!tpu.dma_semaphore, #tpu.memory_space<semaphore_mem>>
        %dma_start3A_241 = arith.constant 0 : i32
        %dma_start3A_242 = tpu.memref_slice %arg2[%multiple_of3A_38, %dma_start3A_241] : memref<6400x128xi32, #tpu.memory_space<hbm>> -> memref<8x128xi32, #tpu.memory_space<hbm>>
        %dma_start3A_243 = arith.constant 0 : i32
        %dma_start3A_244 = tpu.memref_slice %arg2[%multiple_of3A_38, %dma_start3A_243] : memref<6400x128xi32, #tpu.memory_space<hbm>> -> memref<8x128xi32, #tpu.memory_space<hbm>>
        tpu.enqueue_dma source(%dma_start3A_244 : memref<8x128xi32, #tpu.memory_space<hbm>>) target(%arg5 : memref<8x128xi32, #tpu.memory_space<vmem>>) target_semaphore(%run_scoped3A : memref<!tpu.dma_semaphore, #tpu.memory_space<semaphore_mem>>)
        %dma_wait3A_245 = arith.constant 0 : i32
        %dma_wait3A_246 = tpu.memref_slice %arg2[%multiple_of3A_38, %dma_wait3A_245] : memref<6400x128xi32, #tpu.memory_space<hbm>> -> memref<8x128xi32, #tpu.memory_space<hbm>>
        %dma_wait3A_247 = arith.constant 0 : i32
        %dma_wait3A_248 = tpu.memref_slice %arg2[%multiple_of3A_38, %dma_wait3A_247] : memref<6400x128xi32, #tpu.memory_space<hbm>> -> memref<8x128xi32, #tpu.memory_space<hbm>>
        tpu.wait_dma2 semaphore(%run_scoped3A : memref<!tpu.dma_semaphore, #tpu.memory_space<semaphore_mem>>) src(%dma_wait3A_248 : memref<8x128xi32, #tpu.memory_space<hbm>>) dst(%arg5 : memref<8x128xi32, #tpu.memory_space<vmem>>)
        tpu.yield
      }) : () -> ()
      %gt3A = arith.constant 0 : i32
      %gt3A_39 = arith.cmpi sgt, %scan3A_18, %gt3A : i32
      %convert_element_type3A_40 = arith.extui %gt3A_39 : i1 to i32
      %cond3A_41 = arith.constant 0 : i32
      %cond3A_42 = arith.cmpi ne, %convert_element_type3A_40, %cond3A_41 : i32
      scf.if %cond3A_42 {
        %multiple_of3A_241 = tpu.assume_multiple %mul3A_2, 8 : i32
        %dma_wait3A_242 = arith.constant 0 : i32
        %dma_wait3A_243 = tpu.memref_slice %arg4[%multiple_of3A_241, %dma_wait3A_242] : memref<819200x100xf32, #tpu.memory_space<hbm>> -> memref<256x100xf32, #tpu.memory_space<hbm>>
        %dma_wait3A_244 = arith.constant 0 : i32
        %dma_wait3A_245 = tpu.memref_slice %arg4[%multiple_of3A_241, %dma_wait3A_244] : memref<819200x100xf32, #tpu.memory_space<hbm>> -> memref<256x100xf32, #tpu.memory_space<hbm>>
        tpu.wait_dma2 semaphore(%arg11 : memref<!tpu.dma_semaphore, #tpu.memory_space<semaphore_mem>>) src(%arg7 : memref<256x100xf32, #tpu.memory_space<vmem>>) dst(%dma_wait3A_245 : memref<256x100xf32, #tpu.memory_space<hbm>>)
      } else {
      }
      %dma_start3A = arith.constant 0 : i32
      %dma_start3A_43 = arith.constant 0 : i32
      %dma_start3A_44 = arith.constant 0 : i32
      %dma_start3A_45 = tpu.memref_slice %arg7[%dma_start3A_43, %dma_start3A_44] : memref<256x100xf32, #tpu.memory_space<vmem>> -> memref<128x100xf32, #tpu.memory_space<vmem>>
      %dma_start3A_46 = arith.constant 0 : i32
      %dma_start3A_47 = tpu.memref_slice %arg5[%dma_start3A, %dma_start3A_46] : memref<8x128xi32, #tpu.memory_space<vmem>> -> memref<1x128xi32, #tpu.memory_space<vmem>>
      %dma_start3A_48 = tpu.memref_squeeze %dma_start3A_47 : memref<1x128xi32, #tpu.memory_space<vmem>> -> memref<128xi32, #tpu.memory_space<vmem>>
      %dma_start3A_49 = arith.constant 0 : i32
      %dma_start3A_50 = arith.constant 0 : i32
      %dma_start3A_51 = tpu.memref_slice %arg6[%dma_start3A_49, %dma_start3A_50] : memref<100x100xf32, #tpu.memory_space<vmem_shared>> -> memref<100x100xf32, #tpu.memory_space<vmem_shared>>
      tpu.enqueue_indirect_dma source(%dma_start3A_51 : memref<100x100xf32, #tpu.memory_space<vmem_shared>>) target(%dma_start3A_45 : memref<128x100xf32, #tpu.memory_space<vmem>>) offsets(%dma_start3A_48 : memref<128xi32, #tpu.memory_space<vmem>>) semaphore(%arg9 : memref<!tpu.dma_semaphore, #tpu.memory_space<semaphore_mem>>)
      %dma_start3A_52 = arith.constant 1 : i32
      %dma_start3A_53 = arith.constant 128 : i32
      %dma_start3A_54 = arith.constant 0 : i32
      %dma_start3A_55 = tpu.memref_slice %arg7[%dma_start3A_53, %dma_start3A_54] : memref<256x100xf32, #tpu.memory_space<vmem>> -> memref<128x100xf32, #tpu.memory_space<vmem>>
      %dma_start3A_56 = arith.constant 0 : i32
      %dma_start3A_57 = tpu.memref_slice %arg5[%dma_start3A_52, %dma_start3A_56] : memref<8x128xi32, #tpu.memory_space<vmem>> -> memref<1x128xi32, #tpu.memory_space<vmem>>
      %dma_start3A_58 = tpu.memref_squeeze %dma_start3A_57 : memref<1x128xi32, #tpu.memory_space<vmem>> -> memref<128xi32, #tpu.memory_space<vmem>>
      %dma_start3A_59 = arith.constant 0 : i32
      %dma_start3A_60 = arith.constant 0 : i32
      %dma_start3A_61 = tpu.memref_slice %arg6[%dma_start3A_59, %dma_start3A_60] : memref<100x100xf32, #tpu.memory_space<vmem_shared>> -> memref<100x100xf32, #tpu.memory_space<vmem_shared>>
      tpu.enqueue_indirect_dma source(%dma_start3A_61 : memref<100x100xf32, #tpu.memory_space<vmem_shared>>) target(%dma_start3A_55 : memref<128x100xf32, #tpu.memory_space<vmem>>) offsets(%dma_start3A_58 : memref<128xi32, #tpu.memory_space<vmem>>) semaphore(%arg9 : memref<!tpu.dma_semaphore, #tpu.memory_space<semaphore_mem>>)
      %dma_wait3A_62 = arith.constant 0 : i32
      %dma_wait3A_63 = arith.constant 0 : i32
      %dma_wait3A_64 = arith.constant 0 : i32
      %dma_wait3A_65 = tpu.memref_slice %arg7[%dma_wait3A_63, %dma_wait3A_64] : memref<256x100xf32, #tpu.memory_space<vmem>> -> memref<128x100xf32, #tpu.memory_space<vmem>>
      %dma_wait3A_66 = arith.constant 0 : i32
      %dma_wait3A_67 = tpu.memref_slice %arg5[%dma_wait3A_62, %dma_wait3A_66] : memref<8x128xi32, #tpu.memory_space<vmem>> -> memref<1x128xi32, #tpu.memory_space<vmem>>
      %dma_wait3A_68 = tpu.memref_squeeze %dma_wait3A_67 : memref<1x128xi32, #tpu.memory_space<vmem>> -> memref<128xi32, #tpu.memory_space<vmem>>
      %dma_wait3A_69 = arith.constant 0 : i32
      %dma_wait3A_70 = arith.constant 0 : i32
      %dma_wait3A_71 = tpu.memref_slice %arg6[%dma_wait3A_69, %dma_wait3A_70] : memref<100x100xf32, #tpu.memory_space<vmem_shared>> -> memref<100x100xf32, #tpu.memory_space<vmem_shared>>
      tpu.wait_indirect_dma semaphore(%arg9 : memref<!tpu.dma_semaphore, #tpu.memory_space<semaphore_mem>>) src(%dma_wait3A_71 : memref<100x100xf32, #tpu.memory_space<vmem_shared>>) dst(%dma_wait3A_65 : memref<128x100xf32, #tpu.memory_space<vmem>>)
      %dma_wait3A_72 = arith.constant 1 : i32
      %dma_wait3A_73 = arith.constant 128 : i32
      %dma_wait3A_74 = arith.constant 0 : i32
      %dma_wait3A_75 = tpu.memref_slice %arg7[%dma_wait3A_73, %dma_wait3A_74] : memref<256x100xf32, #tpu.memory_space<vmem>> -> memref<128x100xf32, #tpu.memory_space<vmem>>
      %dma_wait3A_76 = arith.constant 0 : i32
      %dma_wait3A_77 = tpu.memref_slice %arg5[%dma_wait3A_72, %dma_wait3A_76] : memref<8x128xi32, #tpu.memory_space<vmem>> -> memref<1x128xi32, #tpu.memory_space<vmem>>
      %dma_wait3A_78 = tpu.memref_squeeze %dma_wait3A_77 : memref<1x128xi32, #tpu.memory_space<vmem>> -> memref<128xi32, #tpu.memory_space<vmem>>
      %dma_wait3A_79 = arith.constant 0 : i32
      %dma_wait3A_80 = arith.constant 0 : i32
      %dma_wait3A_81 = tpu.memref_slice %arg6[%dma_wait3A_79, %dma_wait3A_80] : memref<100x100xf32, #tpu.memory_space<vmem_shared>> -> memref<100x100xf32, #tpu.memory_space<vmem_shared>>
      tpu.wait_indirect_dma semaphore(%arg9 : memref<!tpu.dma_semaphore, #tpu.memory_space<semaphore_mem>>) src(%dma_wait3A_81 : memref<100x100xf32, #tpu.memory_space<vmem_shared>>) dst(%dma_wait3A_75 : memref<128x100xf32, #tpu.memory_space<vmem>>)
      %add3A_82 = arith.constant 0 : i32
      %add3A_83 = arith.addi %add3A_21, %add3A_82 : i32
      %dma_start3A_84 = arith.constant 0 : i32
      %dma_start3A_85 = tpu.memref_slice %arg4[%add3A_83, %dma_start3A_84] : memref<819200x100xf32, #tpu.memory_space<hbm>> -> memref<256x100xf32, #tpu.memory_space<hbm>>
      %dma_start3A_86 = arith.constant 0 : i32
      %dma_start3A_87 = tpu.memref_slice %arg4[%add3A_83, %dma_start3A_86] : memref<819200x100xf32, #tpu.memory_space<hbm>> -> memref<256x100xf32, #tpu.memory_space<hbm>>
      tpu.enqueue_dma source(%arg7 : memref<256x100xf32, #tpu.memory_space<vmem>>) target(%dma_start3A_87 : memref<256x100xf32, #tpu.memory_space<hbm>>) target_semaphore(%arg11 : memref<!tpu.dma_semaphore, #tpu.memory_space<semaphore_mem>>)
      %gt3A_88 = arith.constant 0 : i32
      %gt3A_89 = arith.cmpi sgt, %scan3A_18, %gt3A_88 : i32
      %convert_element_type3A_90 = arith.extui %gt3A_89 : i1 to i32
      %cond3A_91 = arith.constant 0 : i32
      %cond3A_92 = arith.cmpi ne, %convert_element_type3A_90, %cond3A_91 : i32
      scf.if %cond3A_92 {
        %multiple_of3A_241 = tpu.assume_multiple %mul3A_2, 8 : i32
        %dma_wait3A_242 = arith.constant 0 : i32
        %dma_wait3A_243 = tpu.memref_slice %arg4[%multiple_of3A_241, %dma_wait3A_242] : memref<819200x100xf32, #tpu.memory_space<hbm>> -> memref<256x100xf32, #tpu.memory_space<hbm>>
        %dma_wait3A_244 = arith.constant 0 : i32
        %dma_wait3A_245 = tpu.memref_slice %arg4[%multiple_of3A_241, %dma_wait3A_244] : memref<819200x100xf32, #tpu.memory_space<hbm>> -> memref<256x100xf32, #tpu.memory_space<hbm>>
        tpu.wait_dma2 semaphore(%arg12 : memref<!tpu.dma_semaphore, #tpu.memory_space<semaphore_mem>>) src(%arg8 : memref<256x100xf32, #tpu.memory_space<vmem>>) dst(%dma_wait3A_245 : memref<256x100xf32, #tpu.memory_space<hbm>>)
      } else {
      }
      %dma_start3A_93 = arith.constant 2 : i32
      %dma_start3A_94 = arith.constant 0 : i32
      %dma_start3A_95 = arith.constant 0 : i32
      %dma_start3A_96 = tpu.memref_slice %arg8[%dma_start3A_94, %dma_start3A_95] : memref<256x100xf32, #tpu.memory_space<vmem>> -> memref<128x100xf32, #tpu.memory_space<vmem>>
      %dma_start3A_97 = arith.constant 0 : i32
      %dma_start3A_98 = tpu.memref_slice %arg5[%dma_start3A_93, %dma_start3A_97] : memref<8x128xi32, #tpu.memory_space<vmem>> -> memref<1x128xi32, #tpu.memory_space<vmem>>
      %dma_start3A_99 = tpu.memref_squeeze %dma_start3A_98 : memref<1x128xi32, #tpu.memory_space<vmem>> -> memref<128xi32, #tpu.memory_space<vmem>>
      %dma_start3A_100 = arith.constant 0 : i32
      %dma_start3A_101 = arith.constant 0 : i32
      %dma_start3A_102 = tpu.memref_slice %arg6[%dma_start3A_100, %dma_start3A_101] : memref<100x100xf32, #tpu.memory_space<vmem_shared>> -> memref<100x100xf32, #tpu.memory_space<vmem_shared>>
      tpu.enqueue_indirect_dma source(%dma_start3A_102 : memref<100x100xf32, #tpu.memory_space<vmem_shared>>) target(%dma_start3A_96 : memref<128x100xf32, #tpu.memory_space<vmem>>) offsets(%dma_start3A_99 : memref<128xi32, #tpu.memory_space<vmem>>) semaphore(%arg9 : memref<!tpu.dma_semaphore, #tpu.memory_space<semaphore_mem>>)
      %dma_start3A_103 = arith.constant 3 : i32
      %dma_start3A_104 = arith.constant 128 : i32
      %dma_start3A_105 = arith.constant 0 : i32
      %dma_start3A_106 = tpu.memref_slice %arg8[%dma_start3A_104, %dma_start3A_105] : memref<256x100xf32, #tpu.memory_space<vmem>> -> memref<128x100xf32, #tpu.memory_space<vmem>>
      %dma_start3A_107 = arith.constant 0 : i32
      %dma_start3A_108 = tpu.memref_slice %arg5[%dma_start3A_103, %dma_start3A_107] : memref<8x128xi32, #tpu.memory_space<vmem>> -> memref<1x128xi32, #tpu.memory_space<vmem>>
      %dma_start3A_109 = tpu.memref_squeeze %dma_start3A_108 : memref<1x128xi32, #tpu.memory_space<vmem>> -> memref<128xi32, #tpu.memory_space<vmem>>
      %dma_start3A_110 = arith.constant 0 : i32
      %dma_start3A_111 = arith.constant 0 : i32
      %dma_start3A_112 = tpu.memref_slice %arg6[%dma_start3A_110, %dma_start3A_111] : memref<100x100xf32, #tpu.memory_space<vmem_shared>> -> memref<100x100xf32, #tpu.memory_space<vmem_shared>>
      tpu.enqueue_indirect_dma source(%dma_start3A_112 : memref<100x100xf32, #tpu.memory_space<vmem_shared>>) target(%dma_start3A_106 : memref<128x100xf32, #tpu.memory_space<vmem>>) offsets(%dma_start3A_109 : memref<128xi32, #tpu.memory_space<vmem>>) semaphore(%arg9 : memref<!tpu.dma_semaphore, #tpu.memory_space<semaphore_mem>>)
      %dma_wait3A_113 = arith.constant 2 : i32
      %dma_wait3A_114 = arith.constant 0 : i32
      %dma_wait3A_115 = arith.constant 0 : i32
      %dma_wait3A_116 = tpu.memref_slice %arg8[%dma_wait3A_114, %dma_wait3A_115] : memref<256x100xf32, #tpu.memory_space<vmem>> -> memref<128x100xf32, #tpu.memory_space<vmem>>
      %dma_wait3A_117 = arith.constant 0 : i32
      %dma_wait3A_118 = tpu.memref_slice %arg5[%dma_wait3A_113, %dma_wait3A_117] : memref<8x128xi32, #tpu.memory_space<vmem>> -> memref<1x128xi32, #tpu.memory_space<vmem>>
      %dma_wait3A_119 = tpu.memref_squeeze %dma_wait3A_118 : memref<1x128xi32, #tpu.memory_space<vmem>> -> memref<128xi32, #tpu.memory_space<vmem>>
      %dma_wait3A_120 = arith.constant 0 : i32
      %dma_wait3A_121 = arith.constant 0 : i32
      %dma_wait3A_122 = tpu.memref_slice %arg6[%dma_wait3A_120, %dma_wait3A_121] : memref<100x100xf32, #tpu.memory_space<vmem_shared>> -> memref<100x100xf32, #tpu.memory_space<vmem_shared>>
      tpu.wait_indirect_dma semaphore(%arg9 : memref<!tpu.dma_semaphore, #tpu.memory_space<semaphore_mem>>) src(%dma_wait3A_122 : memref<100x100xf32, #tpu.memory_space<vmem_shared>>) dst(%dma_wait3A_116 : memref<128x100xf32, #tpu.memory_space<vmem>>)
      %dma_wait3A_123 = arith.constant 3 : i32
      %dma_wait3A_124 = arith.constant 128 : i32
      %dma_wait3A_125 = arith.constant 0 : i32
      %dma_wait3A_126 = tpu.memref_slice %arg8[%dma_wait3A_124, %dma_wait3A_125] : memref<256x100xf32, #tpu.memory_space<vmem>> -> memref<128x100xf32, #tpu.memory_space<vmem>>
      %dma_wait3A_127 = arith.constant 0 : i32
      %dma_wait3A_128 = tpu.memref_slice %arg5[%dma_wait3A_123, %dma_wait3A_127] : memref<8x128xi32, #tpu.memory_space<vmem>> -> memref<1x128xi32, #tpu.memory_space<vmem>>
      %dma_wait3A_129 = tpu.memref_squeeze %dma_wait3A_128 : memref<1x128xi32, #tpu.memory_space<vmem>> -> memref<128xi32, #tpu.memory_space<vmem>>
      %dma_wait3A_130 = arith.constant 0 : i32
      %dma_wait3A_131 = arith.constant 0 : i32
      %dma_wait3A_132 = tpu.memref_slice %arg6[%dma_wait3A_130, %dma_wait3A_131] : memref<100x100xf32, #tpu.memory_space<vmem_shared>> -> memref<100x100xf32, #tpu.memory_space<vmem_shared>>
      tpu.wait_indirect_dma semaphore(%arg9 : memref<!tpu.dma_semaphore, #tpu.memory_space<semaphore_mem>>) src(%dma_wait3A_132 : memref<100x100xf32, #tpu.memory_space<vmem_shared>>) dst(%dma_wait3A_126 : memref<128x100xf32, #tpu.memory_space<vmem>>)
      %add3A_133 = arith.constant 256 : i32
      %add3A_134 = arith.addi %add3A_21, %add3A_133 : i32
      %dma_start3A_135 = arith.constant 0 : i32
      %dma_start3A_136 = tpu.memref_slice %arg4[%add3A_134, %dma_start3A_135] : memref<819200x100xf32, #tpu.memory_space<hbm>> -> memref<256x100xf32, #tpu.memory_space<hbm>>
      %dma_start3A_137 = arith.constant 0 : i32
      %dma_start3A_138 = tpu.memref_slice %arg4[%add3A_134, %dma_start3A_137] : memref<819200x100xf32, #tpu.memory_space<hbm>> -> memref<256x100xf32, #tpu.memory_space<hbm>>
      tpu.enqueue_dma source(%arg8 : memref<256x100xf32, #tpu.memory_space<vmem>>) target(%dma_start3A_138 : memref<256x100xf32, #tpu.memory_space<hbm>>) target_semaphore(%arg12 : memref<!tpu.dma_semaphore, #tpu.memory_space<semaphore_mem>>)
      %multiple_of3A_139 = tpu.assume_multiple %mul3A_2, 8 : i32
      %dma_wait3A_140 = arith.constant 0 : i32
      %dma_wait3A_141 = tpu.memref_slice %arg4[%multiple_of3A_139, %dma_wait3A_140] : memref<819200x100xf32, #tpu.memory_space<hbm>> -> memref<256x100xf32, #tpu.memory_space<hbm>>
      %dma_wait3A_142 = arith.constant 0 : i32
      %dma_wait3A_143 = tpu.memref_slice %arg4[%multiple_of3A_139, %dma_wait3A_142] : memref<819200x100xf32, #tpu.memory_space<hbm>> -> memref<256x100xf32, #tpu.memory_space<hbm>>
      tpu.wait_dma2 semaphore(%arg11 : memref<!tpu.dma_semaphore, #tpu.memory_space<semaphore_mem>>) src(%arg7 : memref<256x100xf32, #tpu.memory_space<vmem>>) dst(%dma_wait3A_143 : memref<256x100xf32, #tpu.memory_space<hbm>>)
      %dma_start3A_144 = arith.constant 4 : i32
      %dma_start3A_145 = arith.constant 0 : i32
      %dma_start3A_146 = arith.constant 0 : i32
      %dma_start3A_147 = tpu.memref_slice %arg7[%dma_start3A_145, %dma_start3A_146] : memref<256x100xf32, #tpu.memory_space<vmem>> -> memref<128x100xf32, #tpu.memory_space<vmem>>
      %dma_start3A_148 = arith.constant 0 : i32
      %dma_start3A_149 = tpu.memref_slice %arg5[%dma_start3A_144, %dma_start3A_148] : memref<8x128xi32, #tpu.memory_space<vmem>> -> memref<1x128xi32, #tpu.memory_space<vmem>>
      %dma_start3A_150 = tpu.memref_squeeze %dma_start3A_149 : memref<1x128xi32, #tpu.memory_space<vmem>> -> memref<128xi32, #tpu.memory_space<vmem>>
      %dma_start3A_151 = arith.constant 0 : i32
      %dma_start3A_152 = arith.constant 0 : i32
      %dma_start3A_153 = tpu.memref_slice %arg6[%dma_start3A_151, %dma_start3A_152] : memref<100x100xf32, #tpu.memory_space<vmem_shared>> -> memref<100x100xf32, #tpu.memory_space<vmem_shared>>
      tpu.enqueue_indirect_dma source(%dma_start3A_153 : memref<100x100xf32, #tpu.memory_space<vmem_shared>>) target(%dma_start3A_147 : memref<128x100xf32, #tpu.memory_space<vmem>>) offsets(%dma_start3A_150 : memref<128xi32, #tpu.memory_space<vmem>>) semaphore(%arg9 : memref<!tpu.dma_semaphore, #tpu.memory_space<semaphore_mem>>)
      %dma_start3A_154 = arith.constant 5 : i32
      %dma_start3A_155 = arith.constant 128 : i32
      %dma_start3A_156 = arith.constant 0 : i32
      %dma_start3A_157 = tpu.memref_slice %arg7[%dma_start3A_155, %dma_start3A_156] : memref<256x100xf32, #tpu.memory_space<vmem>> -> memref<128x100xf32, #tpu.memory_space<vmem>>
      %dma_start3A_158 = arith.constant 0 : i32
      %dma_start3A_159 = tpu.memref_slice %arg5[%dma_start3A_154, %dma_start3A_158] : memref<8x128xi32, #tpu.memory_space<vmem>> -> memref<1x128xi32, #tpu.memory_space<vmem>>
      %dma_start3A_160 = tpu.memref_squeeze %dma_start3A_159 : memref<1x128xi32, #tpu.memory_space<vmem>> -> memref<128xi32, #tpu.memory_space<vmem>>
      %dma_start3A_161 = arith.constant 0 : i32
      %dma_start3A_162 = arith.constant 0 : i32
      %dma_start3A_163 = tpu.memref_slice %arg6[%dma_start3A_161, %dma_start3A_162] : memref<100x100xf32, #tpu.memory_space<vmem_shared>> -> memref<100x100xf32, #tpu.memory_space<vmem_shared>>
      tpu.enqueue_indirect_dma source(%dma_start3A_163 : memref<100x100xf32, #tpu.memory_space<vmem_shared>>) target(%dma_start3A_157 : memref<128x100xf32, #tpu.memory_space<vmem>>) offsets(%dma_start3A_160 : memref<128xi32, #tpu.memory_space<vmem>>) semaphore(%arg9 : memref<!tpu.dma_semaphore, #tpu.memory_space<semaphore_mem>>)
      %dma_wait3A_164 = arith.constant 4 : i32
      %dma_wait3A_165 = arith.constant 0 : i32
      %dma_wait3A_166 = arith.constant 0 : i32
      %dma_wait3A_167 = tpu.memref_slice %arg7[%dma_wait3A_165, %dma_wait3A_166] : memref<256x100xf32, #tpu.memory_space<vmem>> -> memref<128x100xf32, #tpu.memory_space<vmem>>
      %dma_wait3A_168 = arith.constant 0 : i32
      %dma_wait3A_169 = tpu.memref_slice %arg5[%dma_wait3A_164, %dma_wait3A_168] : memref<8x128xi32, #tpu.memory_space<vmem>> -> memref<1x128xi32, #tpu.memory_space<vmem>>
      %dma_wait3A_170 = tpu.memref_squeeze %dma_wait3A_169 : memref<1x128xi32, #tpu.memory_space<vmem>> -> memref<128xi32, #tpu.memory_space<vmem>>
      %dma_wait3A_171 = arith.constant 0 : i32
      %dma_wait3A_172 = arith.constant 0 : i32
      %dma_wait3A_173 = tpu.memref_slice %arg6[%dma_wait3A_171, %dma_wait3A_172] : memref<100x100xf32, #tpu.memory_space<vmem_shared>> -> memref<100x100xf32, #tpu.memory_space<vmem_shared>>
      tpu.wait_indirect_dma semaphore(%arg9 : memref<!tpu.dma_semaphore, #tpu.memory_space<semaphore_mem>>) src(%dma_wait3A_173 : memref<100x100xf32, #tpu.memory_space<vmem_shared>>) dst(%dma_wait3A_167 : memref<128x100xf32, #tpu.memory_space<vmem>>)
      %dma_wait3A_174 = arith.constant 5 : i32
      %dma_wait3A_175 = arith.constant 128 : i32
      %dma_wait3A_176 = arith.constant 0 : i32
      %dma_wait3A_177 = tpu.memref_slice %arg7[%dma_wait3A_175, %dma_wait3A_176] : memref<256x100xf32, #tpu.memory_space<vmem>> -> memref<128x100xf32, #tpu.memory_space<vmem>>
      %dma_wait3A_178 = arith.constant 0 : i32
      %dma_wait3A_179 = tpu.memref_slice %arg5[%dma_wait3A_174, %dma_wait3A_178] : memref<8x128xi32, #tpu.memory_space<vmem>> -> memref<1x128xi32, #tpu.memory_space<vmem>>
      %dma_wait3A_180 = tpu.memref_squeeze %dma_wait3A_179 : memref<1x128xi32, #tpu.memory_space<vmem>> -> memref<128xi32, #tpu.memory_space<vmem>>
      %dma_wait3A_181 = arith.constant 0 : i32
      %dma_wait3A_182 = arith.constant 0 : i32
      %dma_wait3A_183 = tpu.memref_slice %arg6[%dma_wait3A_181, %dma_wait3A_182] : memref<100x100xf32, #tpu.memory_space<vmem_shared>> -> memref<100x100xf32, #tpu.memory_space<vmem_shared>>
      tpu.wait_indirect_dma semaphore(%arg9 : memref<!tpu.dma_semaphore, #tpu.memory_space<semaphore_mem>>) src(%dma_wait3A_183 : memref<100x100xf32, #tpu.memory_space<vmem_shared>>) dst(%dma_wait3A_177 : memref<128x100xf32, #tpu.memory_space<vmem>>)
      %add3A_184 = arith.constant 512 : i32
      %add3A_185 = arith.addi %add3A_21, %add3A_184 : i32
      %dma_start3A_186 = arith.constant 0 : i32
      %dma_start3A_187 = tpu.memref_slice %arg4[%add3A_185, %dma_start3A_186] : memref<819200x100xf32, #tpu.memory_space<hbm>> -> memref<256x100xf32, #tpu.memory_space<hbm>>
      %dma_start3A_188 = arith.constant 0 : i32
      %dma_start3A_189 = tpu.memref_slice %arg4[%add3A_185, %dma_start3A_188] : memref<819200x100xf32, #tpu.memory_space<hbm>> -> memref<256x100xf32, #tpu.memory_space<hbm>>
      tpu.enqueue_dma source(%arg7 : memref<256x100xf32, #tpu.memory_space<vmem>>) target(%dma_start3A_189 : memref<256x100xf32, #tpu.memory_space<hbm>>) target_semaphore(%arg11 : memref<!tpu.dma_semaphore, #tpu.memory_space<semaphore_mem>>)
      %multiple_of3A_190 = tpu.assume_multiple %mul3A_2, 8 : i32
      %dma_wait3A_191 = arith.constant 0 : i32
      %dma_wait3A_192 = tpu.memref_slice %arg4[%multiple_of3A_190, %dma_wait3A_191] : memref<819200x100xf32, #tpu.memory_space<hbm>> -> memref<256x100xf32, #tpu.memory_space<hbm>>
      %dma_wait3A_193 = arith.constant 0 : i32
      %dma_wait3A_194 = tpu.memref_slice %arg4[%multiple_of3A_190, %dma_wait3A_193] : memref<819200x100xf32, #tpu.memory_space<hbm>> -> memref<256x100xf32, #tpu.memory_space<hbm>>
      tpu.wait_dma2 semaphore(%arg12 : memref<!tpu.dma_semaphore, #tpu.memory_space<semaphore_mem>>) src(%arg8 : memref<256x100xf32, #tpu.memory_space<vmem>>) dst(%dma_wait3A_194 : memref<256x100xf32, #tpu.memory_space<hbm>>)
      %dma_start3A_195 = arith.constant 6 : i32
      %dma_start3A_196 = arith.constant 0 : i32
      %dma_start3A_197 = arith.constant 0 : i32
      %dma_start3A_198 = tpu.memref_slice %arg8[%dma_start3A_196, %dma_start3A_197] : memref<256x100xf32, #tpu.memory_space<vmem>> -> memref<128x100xf32, #tpu.memory_space<vmem>>
      %dma_start3A_199 = arith.constant 0 : i32
      %dma_start3A_200 = tpu.memref_slice %arg5[%dma_start3A_195, %dma_start3A_199] : memref<8x128xi32, #tpu.memory_space<vmem>> -> memref<1x128xi32, #tpu.memory_space<vmem>>
      %dma_start3A_201 = tpu.memref_squeeze %dma_start3A_200 : memref<1x128xi32, #tpu.memory_space<vmem>> -> memref<128xi32, #tpu.memory_space<vmem>>
      %dma_start3A_202 = arith.constant 0 : i32
      %dma_start3A_203 = arith.constant 0 : i32
      %dma_start3A_204 = tpu.memref_slice %arg6[%dma_start3A_202, %dma_start3A_203] : memref<100x100xf32, #tpu.memory_space<vmem_shared>> -> memref<100x100xf32, #tpu.memory_space<vmem_shared>>
      tpu.enqueue_indirect_dma source(%dma_start3A_204 : memref<100x100xf32, #tpu.memory_space<vmem_shared>>) target(%dma_start3A_198 : memref<128x100xf32, #tpu.memory_space<vmem>>) offsets(%dma_start3A_201 : memref<128xi32, #tpu.memory_space<vmem>>) semaphore(%arg9 : memref<!tpu.dma_semaphore, #tpu.memory_space<semaphore_mem>>)
      %dma_start3A_205 = arith.constant 7 : i32
      %dma_start3A_206 = arith.constant 128 : i32
      %dma_start3A_207 = arith.constant 0 : i32
      %dma_start3A_208 = tpu.memref_slice %arg8[%dma_start3A_206, %dma_start3A_207] : memref<256x100xf32, #tpu.memory_space<vmem>> -> memref<128x100xf32, #tpu.memory_space<vmem>>
      %dma_start3A_209 = arith.constant 0 : i32
      %dma_start3A_210 = tpu.memref_slice %arg5[%dma_start3A_205, %dma_start3A_209] : memref<8x128xi32, #tpu.memory_space<vmem>> -> memref<1x128xi32, #tpu.memory_space<vmem>>
      %dma_start3A_211 = tpu.memref_squeeze %dma_start3A_210 : memref<1x128xi32, #tpu.memory_space<vmem>> -> memref<128xi32, #tpu.memory_space<vmem>>
      %dma_start3A_212 = arith.constant 0 : i32
      %dma_start3A_213 = arith.constant 0 : i32
      %dma_start3A_214 = tpu.memref_slice %arg6[%dma_start3A_212, %dma_start3A_213] : memref<100x100xf32, #tpu.memory_space<vmem_shared>> -> memref<100x100xf32, #tpu.memory_space<vmem_shared>>
      tpu.enqueue_indirect_dma source(%dma_start3A_214 : memref<100x100xf32, #tpu.memory_space<vmem_shared>>) target(%dma_start3A_208 : memref<128x100xf32, #tpu.memory_space<vmem>>) offsets(%dma_start3A_211 : memref<128xi32, #tpu.memory_space<vmem>>) semaphore(%arg9 : memref<!tpu.dma_semaphore, #tpu.memory_space<semaphore_mem>>)
      %dma_wait3A_215 = arith.constant 6 : i32
      %dma_wait3A_216 = arith.constant 0 : i32
      %dma_wait3A_217 = arith.constant 0 : i32
      %dma_wait3A_218 = tpu.memref_slice %arg8[%dma_wait3A_216, %dma_wait3A_217] : memref<256x100xf32, #tpu.memory_space<vmem>> -> memref<128x100xf32, #tpu.memory_space<vmem>>
      %dma_wait3A_219 = arith.constant 0 : i32
      %dma_wait3A_220 = tpu.memref_slice %arg5[%dma_wait3A_215, %dma_wait3A_219] : memref<8x128xi32, #tpu.memory_space<vmem>> -> memref<1x128xi32, #tpu.memory_space<vmem>>
      %dma_wait3A_221 = tpu.memref_squeeze %dma_wait3A_220 : memref<1x128xi32, #tpu.memory_space<vmem>> -> memref<128xi32, #tpu.memory_space<vmem>>
      %dma_wait3A_222 = arith.constant 0 : i32
      %dma_wait3A_223 = arith.constant 0 : i32
      %dma_wait3A_224 = tpu.memref_slice %arg6[%dma_wait3A_222, %dma_wait3A_223] : memref<100x100xf32, #tpu.memory_space<vmem_shared>> -> memref<100x100xf32, #tpu.memory_space<vmem_shared>>
      tpu.wait_indirect_dma semaphore(%arg9 : memref<!tpu.dma_semaphore, #tpu.memory_space<semaphore_mem>>) src(%dma_wait3A_224 : memref<100x100xf32, #tpu.memory_space<vmem_shared>>) dst(%dma_wait3A_218 : memref<128x100xf32, #tpu.memory_space<vmem>>)
      %dma_wait3A_225 = arith.constant 7 : i32
      %dma_wait3A_226 = arith.constant 128 : i32
      %dma_wait3A_227 = arith.constant 0 : i32
      %dma_wait3A_228 = tpu.memref_slice %arg8[%dma_wait3A_226, %dma_wait3A_227] : memref<256x100xf32, #tpu.memory_space<vmem>> -> memref<128x100xf32, #tpu.memory_space<vmem>>
      %dma_wait3A_229 = arith.constant 0 : i32
      %dma_wait3A_230 = tpu.memref_slice %arg5[%dma_wait3A_225, %dma_wait3A_229] : memref<8x128xi32, #tpu.memory_space<vmem>> -> memref<1x128xi32, #tpu.memory_space<vmem>>
      %dma_wait3A_231 = tpu.memref_squeeze %dma_wait3A_230 : memref<1x128xi32, #tpu.memory_space<vmem>> -> memref<128xi32, #tpu.memory_space<vmem>>
      %dma_wait3A_232 = arith.constant 0 : i32
      %dma_wait3A_233 = arith.constant 0 : i32
      %dma_wait3A_234 = tpu.memref_slice %arg6[%dma_wait3A_232, %dma_wait3A_233] : memref<100x100xf32, #tpu.memory_space<vmem_shared>> -> memref<100x100xf32, #tpu.memory_space<vmem_shared>>
      tpu.wait_indirect_dma semaphore(%arg9 : memref<!tpu.dma_semaphore, #tpu.memory_space<semaphore_mem>>) src(%dma_wait3A_234 : memref<100x100xf32, #tpu.memory_space<vmem_shared>>) dst(%dma_wait3A_228 : memref<128x100xf32, #tpu.memory_space<vmem>>)
      %add3A_235 = arith.constant 768 : i32
      %add3A_236 = arith.addi %add3A_21, %add3A_235 : i32
      %dma_start3A_237 = arith.constant 0 : i32
      %dma_start3A_238 = tpu.memref_slice %arg4[%add3A_236, %dma_start3A_237] : memref<819200x100xf32, #tpu.memory_space<hbm>> -> memref<256x100xf32, #tpu.memory_space<hbm>>
      %dma_start3A_239 = arith.constant 0 : i32
      %dma_start3A_240 = tpu.memref_slice %arg4[%add3A_236, %dma_start3A_239] : memref<819200x100xf32, #tpu.memory_space<hbm>> -> memref<256x100xf32, #tpu.memory_space<hbm>>
      tpu.enqueue_dma source(%arg8 : memref<256x100xf32, #tpu.memory_space<vmem>>) target(%dma_start3A_240 : memref<256x100xf32, #tpu.memory_space<hbm>>) target_semaphore(%arg12 : memref<!tpu.dma_semaphore, #tpu.memory_space<semaphore_mem>>)
    }
    %scan3A_9 = arith.constant 25 : i32
    %multiple_of3A = tpu.assume_multiple %mul3A_2, 8 : i32
    %dma_wait3A = arith.constant 0 : i32
    %dma_wait3A_10 = tpu.memref_slice %arg4[%multiple_of3A, %dma_wait3A] : memref<819200x100xf32, #tpu.memory_space<hbm>> -> memref<256x100xf32, #tpu.memory_space<hbm>>
    %dma_wait3A_11 = arith.constant 0 : i32
    %dma_wait3A_12 = tpu.memref_slice %arg4[%multiple_of3A, %dma_wait3A_11] : memref<819200x100xf32, #tpu.memory_space<hbm>> -> memref<256x100xf32, #tpu.memory_space<hbm>>
    tpu.wait_dma2 semaphore(%arg11 : memref<!tpu.dma_semaphore, #tpu.memory_space<semaphore_mem>>) src(%arg7 : memref<256x100xf32, #tpu.memory_space<vmem>>) dst(%dma_wait3A_12 : memref<256x100xf32, #tpu.memory_space<hbm>>)
    %multiple_of3A_13 = tpu.assume_multiple %mul3A_2, 8 : i32
    %dma_wait3A_14 = arith.constant 0 : i32
    %dma_wait3A_15 = tpu.memref_slice %arg4[%multiple_of3A_13, %dma_wait3A_14] : memref<819200x100xf32, #tpu.memory_space<hbm>> -> memref<256x100xf32, #tpu.memory_space<hbm>>
    %dma_wait3A_16 = arith.constant 0 : i32
    %dma_wait3A_17 = tpu.memref_slice %arg4[%multiple_of3A_13, %dma_wait3A_16] : memref<819200x100xf32, #tpu.memory_space<hbm>> -> memref<256x100xf32, #tpu.memory_space<hbm>>
    tpu.wait_dma2 semaphore(%arg12 : memref<!tpu.dma_semaphore, #tpu.memory_space<semaphore_mem>>) src(%arg8 : memref<256x100xf32, #tpu.memory_space<vmem>>) dst(%dma_wait3A_17 : memref<256x100xf32, #tpu.memory_space<hbm>>)
    return
  }
}

module attributes {stable_mosaic.version = 14 : i64} {
  func.func @_fold_body(%arg0: memref<100x32xf32, #tpu.memory_space<vmem>>, %arg1: memref<32x64xf32, #tpu.memory_space<vmem>>, %arg2: memref<1x64xf32, #tpu.memory_space<vmem>>, %arg3: memref<64x32xf32, #tpu.memory_space<vmem>>, %arg4: memref<1x32xf32, #tpu.memory_space<vmem>>, %arg5: memref<32x100xf32, #tpu.memory_space<vmem>>, %arg6: memref<1x100xf32, #tpu.memory_space<vmem>>, %arg7: memref<100x100xf32, #tpu.memory_space<vmem>>) attributes {dimension_semantics = [], scalar_prefetch = 0 : i64, scratch_operands = 0 : i64, tpu.core_type = #tpu.core_type<tc>} {
    %get3A = arith.constant 0 : index
    %get3A_0 = arith.constant 0 : index
    %get3A_1 = vector.load %arg0[%get3A, %get3A_0] : memref<100x32xf32, #tpu.memory_space<vmem>>, vector<100x32xf32>
    %get3A_2 = arith.constant 0 : index
    %get3A_3 = arith.constant 0 : index
    %get3A_4 = vector.load %arg1[%get3A_2, %get3A_3] : memref<32x64xf32, #tpu.memory_space<vmem>>, vector<32x64xf32>
    %dot_general3A = arith.constant dense<0.000000e+00> : vector<100x64xf32>
    %dot_general3A_5 = tpu.matmul %get3A_1, %get3A_4, %dot_general3A {dimension_numbers = #tpu.dot_dimension_numbers<[1], [0], [0], [1], [0, 0, 1, 1], [], []>, transpose_lhs_hint = false} : vector<100x32xf32>, vector<32x64xf32>, vector<100x64xf32> -> vector<100x64xf32>
    %get3A_6 = arith.constant 0 : index
    %get3A_7 = arith.constant 0 : index
    %get3A_8 = vector.load %arg2[%get3A_6, %get3A_7] : memref<1x64xf32, #tpu.memory_space<vmem>>, vector<1x64xf32>
    %add3A = vector.broadcast %get3A_8 : vector<1x64xf32> to vector<100x64xf32>
    %add3A_9 = arith.addf %dot_general3A_5, %add3A : vector<100x64xf32>
    %get3A_10 = arith.constant 0 : index
    %get3A_11 = arith.constant 0 : index
    %get3A_12 = vector.load %arg3[%get3A_10, %get3A_11] : memref<64x32xf32, #tpu.memory_space<vmem>>, vector<64x32xf32>
    %dot_general3A_13 = arith.constant dense<0.000000e+00> : vector<100x32xf32>
    %dot_general3A_14 = tpu.matmul %add3A_9, %get3A_12, %dot_general3A_13 {dimension_numbers = #tpu.dot_dimension_numbers<[1], [0], [0], [1], [0, 0, 1, 1], [], []>, transpose_lhs_hint = false} : vector<100x64xf32>, vector<64x32xf32>, vector<100x32xf32> -> vector<100x32xf32>
    %get3A_15 = arith.constant 0 : index
    %get3A_16 = arith.constant 0 : index
    %get3A_17 = vector.load %arg4[%get3A_15, %get3A_16] : memref<1x32xf32, #tpu.memory_space<vmem>>, vector<1x32xf32>
    %add3A_18 = vector.broadcast %get3A_17 : vector<1x32xf32> to vector<100x32xf32>
    %add3A_19 = arith.addf %dot_general3A_14, %add3A_18 : vector<100x32xf32>
    %get3A_20 = arith.constant 0 : index
    %get3A_21 = arith.constant 0 : index
    %get3A_22 = vector.load %arg5[%get3A_20, %get3A_21] : memref<32x100xf32, #tpu.memory_space<vmem>>, vector<32x100xf32>
    %dot_general3A_23 = arith.constant dense<0.000000e+00> : vector<100x100xf32>
    %dot_general3A_24 = tpu.matmul %add3A_19, %get3A_22, %dot_general3A_23 {dimension_numbers = #tpu.dot_dimension_numbers<[1], [0], [0], [1], [0, 0, 1, 1], [], []>, transpose_lhs_hint = false} : vector<100x32xf32>, vector<32x100xf32>, vector<100x100xf32> -> vector<100x100xf32>
    %get3A_25 = arith.constant 0 : index
    %get3A_26 = arith.constant 0 : index
    %get3A_27 = vector.load %arg6[%get3A_25, %get3A_26] : memref<1x100xf32, #tpu.memory_space<vmem>>, vector<1x100xf32>
    %add3A_28 = vector.broadcast %get3A_27 : vector<1x100xf32> to vector<100x100xf32>
    %add3A_29 = arith.addf %dot_general3A_24, %add3A_28 : vector<100x100xf32>
    %swap3A = arith.constant 0 : index
    %swap3A_30 = arith.constant 0 : index
    %swap3A_31 = vector.load %arg7[%swap3A, %swap3A_30] : memref<100x100xf32, #tpu.memory_space<vmem>>, vector<100x100xf32>
    tpu.vector_store %arg7[%swap3A, %swap3A_30], %add3A_29 {strides = array<i32>} : memref<100x100xf32, #tpu.memory_space<vmem>>, vector<100x100xf32>,
    return
  }
}

</mosaic_0001>

<sc_bundles>
// kernel: kernel.4.cloned.1.call-start
scs
__scs_entry_jumppad:
0x0: {  	(pc) =	sbr.rel $0x88, $3  }
0x1: {  	(tag) =	ssettag $0x0;
	lr =	simm.s32 $0x1  }
0x2: {  	[smem:$0x3F99] =	sst lr;
	_ =	strace $0xD0000000  }
0x3: {  	_ = 	snop  }
0x4: {  	_ = 	snop  }
0x5: {  	_ = 	snop  }
0x6: {  	_ = 	snop  }
0x7: {  	_ = 	snop  }
__scs_overlays_trampoline_lowered:
0x8: {  	[smem:$0x3FA8] =	sst s0  }
0x9: {  	[smem:$0x3FA9] =	sst s1  }
0xa: {  	[smem:$0x3FAA] =	sst s2  }
0xb: {  	[smem:$0x3FAB] =	sst s3  }
0xc: {  	[smem:$0x3FAC] =	sst s4  }
0xd: {  	[smem:$0x3FAD] =	sst s5  }
0xe: {  	[smem:$0x3FAE] =	sst s6  }
0xf: {  	[smem:$0x3FAF] =	sst s7  }
0x10: {  	[smem:$0x3FB0] =	sst s8  }
0x11: {  	[smem:$0x3FB1] =	sst s9;
	s0 =	simm.s32 @!p0 $0x0  }
0x12: {  	s1 =	sld [smem:$0x3F97];
	s0 =	simm.s32 @p0 $0x1  }
0x13: {  	[smem:$0x3FB2] =	sst s0;
	s0 =	simm.s32 @!p1 $0x0  }
0x14: {  	s2 =	sld [smem:$0x3F96];
	s0 =	simm.s32 @p1 $0x1  }
0x15: {  	[smem:$0x3FB3] =	sst s0;
	s0 =	simm.s32 @!p2 $0x0  }
0x16: {  	s3 =	sld [smem:$0x3FDB];
	s0 =	simm.s32 @p2 $0x1  }
0x17: {  	s4 =	simm.s32 $0x1BF5;
	[smem:$0x3FB5] =	sst s0  }
0x18: {  	s0 =	sld [smem:$0x3F98];
	_ =	swait.ge [sflag:s4], $0x0  }
0x19: {  	s7 =	sld [smem:$0x3F99]  }
0x1a: {  	s8 =	sadd.s32 $0xFFFFE003, lr  }
0x1b: {  	s9 =	sadd.s32 $0xFFFFFEF7, lr;
	s5 =	simm.s32 $0xFFFFFFFF;
	p2 =	slt.u32 s8, $0xFFFFF086  }
0x1c: {  	p1 =	slt.u32 s9, $0xF7A;
	s5 =	simm.s32 @!p2 $0x0  }
0x1d: {  	s5 =	simm.s32 @p1 $0x1;
	p0 =	seq.s32 s7, s2  }
0x1e: {  	s7 =	smul.u32 @!p0 $0xF7A, s2;
	p2 =	seq.s32 @!p0 s5, $0x0  }
0x1f: {  	s9 =	smul.u32 $0xF7A, s1;
	s8 =	simm.s32 @!p0 $0x1BF5;
	p2 =	por !p2, p0  }
0x20: {  	[sflag:s8] =	ssyncset.s32 @!p0 $0xFFFFF086;
	s6 =	sadd.s32 @!p0 s3, s7;
	s7 =	simm.s32 @!p0 $0x108  }
0x21: {  	s3 =	sadd.s32 s3, s9;
	s6 =	sadd.s32 @!p0 $0x88, s6;
	s7 =	simm.s32 @p2 $0x1082  }
0x22: {  	[simem:s7], [sflag:s8] =	dma.local @!p0 [hbm:s6], $0xF7A  }
0x23: {  	s9 =	sor.u32 $0xD0000000, s2;
	s6 =	simm.s32 $0x108;
	_ =	swait.ge @!p0 [sflag:s8], $0x0  }
0x24: {  	s3 =	sadd.s32 $0x88, s3;
	s6 =	simm.s32 @!p1 $0x1082;
	[sflag:s4] =	ssyncset.s32 $0xFFFFF086  }
0x25: {  	[simem:s6], [sflag:s4] =	dma.local [hbm:s3], $0xF7A  }
0x26: {  	[smem:$0x3F99] =	sst s1;
	(tag) =	ssettag s2;
	_ =	strace s9  }
0x27: {  	s1 =	sld [smem:$0x3FA9]  }
0x28: {  	s2 =	sld [smem:$0x3FAA]  }
0x29: {  	s4 =	sld [smem:$0x3FAC]  }
0x2a: {  	p0 =	seq.s32 s5, $0x0;
	s5 =	sld [smem:$0x3FAD]  }
0x2b: {  	s6 =	sld [smem:$0x3FAE]  }
0x2c: {  	s7 =	sld [smem:$0x3FAF]  }
0x2d: {  	s3 =	simm.s32 $0x108;
	s8 =	sld [smem:$0x3FB0]  }
0x2e: {  	s3 =	simm.s32 @!p0 $0x1082;
	s9 =	sld [smem:$0x3FB1]  }
0x2f: {  	lr =	sadd.s32 s0, s3;
	s0 =	sld [smem:$0x3FA8]  }
0x30: {  	s3 =	sld [smem:$0x3FAB]  }
0x31: {  	[smem:$0x3FB4] =	sst s10  }
0x32: {  	s10 =	sld [smem:$0x3FB2];
	_ =	sdelay $0x3  }
0x33: {  	p0 =	seq.s32 s10, $0x1;
	s10 =	sld [smem:$0x3FB4];
	_ =	sdelay $0x3  }
0x34: {  	[smem:$0x3FB4] =	sst s10  }
0x35: {  	s10 =	sld [smem:$0x3FB3];
	_ =	sdelay $0x3  }
0x36: {  	p1 =	seq.s32 s10, $0x1;
	s10 =	sld [smem:$0x3FB4];
	_ =	sdelay $0x3  }
0x37: {  	[smem:$0x3FB4] =	sst s10  }
0x38: {  	s10 =	sld [smem:$0x3FB5]  }
0x39: {  	_ = 	snop;
	(pc) =	sbr.ind lr, $3  }
0x3a: {  	_ = 	snop  }
0x3b: {  	_ = 	snop  }
0x3c: {  	p2 =	seq.s32 s10, $0x1;
	s10 =	sld [smem:$0x3FB4]  }
0x3d: {  	_ =	shalt  }
0x3e: {  	_ =	shalt  }
0x3f: {  	_ =	shalt  }
0x40: {  	_ =	shalt  }
0x41: {  	_ =	shalt  }
0x42: {  	_ =	shalt  }
0x43: {  	_ =	shalt  }
0x44: {  	_ =	shalt  }
0x45: {  	_ =	shalt  }
0x46: {  	_ =	shalt  }
0x47: {  	_ =	shalt  }
0x48: {  	_ =	shalt  }
0x49: {  	_ =	shalt  }
0x4a: {  	_ =	shalt  }
0x4b: {  	_ =	shalt  }
0x4c: {  	_ =	shalt  }
0x4d: {  	_ =	shalt  }
0x4e: {  	_ =	shalt  }
0x4f: {  	_ =	shalt  }
0x50: {  	_ =	shalt  }
0x51: {  	_ =	shalt  }
0x52: {  	_ =	shalt  }
0x53: {  	_ =	shalt  }
0x54: {  	_ =	shalt  }
0x55: {  	_ =	shalt  }
0x56: {  	_ =	shalt  }
0x57: {  	_ =	shalt  }
0x58: {  	_ =	shalt  }
0x59: {  	_ =	shalt  }
0x5a: {  	_ =	shalt  }
0x5b: {  	_ =	shalt  }
0x5c: {  	_ =	shalt  }
0x5d: {  	_ =	shalt  }
0x5e: {  	_ =	shalt  }
0x5f: {  	_ =	shalt  }
0x60: {  	_ =	shalt  }
0x61: {  	_ =	shalt  }
0x62: {  	_ =	shalt  }
0x63: {  	_ =	shalt  }
0x64: {  	_ =	shalt  }
0x65: {  	_ =	shalt  }
0x66: {  	_ =	shalt  }
0x67: {  	_ =	shalt  }
0x68: {  	_ =	shalt  }
0x69: {  	_ =	shalt  }
0x6a: {  	_ =	shalt  }
0x6b: {  	_ =	shalt  }
0x6c: {  	_ =	shalt  }
0x6d: {  	_ =	shalt  }
0x6e: {  	_ =	shalt  }
0x6f: {  	_ =	shalt  }
0x70: {  	_ =	shalt  }
0x71: {  	_ =	shalt  }
0x72: {  	_ =	shalt  }
0x73: {  	_ =	shalt  }
0x74: {  	_ =	shalt  }
0x75: {  	_ =	shalt  }
0x76: {  	_ =	shalt  }
0x77: {  	_ =	shalt  }
0x78: {  	_ =	shalt  }
0x79: {  	_ =	shalt  }
0x7a: {  	_ =	shalt  }
0x7b: {  	_ =	shalt  }
0x7c: {  	_ =	shalt  }
0x7d: {  	_ =	shalt  }
0x7e: {  	_ =	shalt  }
0x7f: {  	_ =	shalt  }
0x80: {  	_ =	shalt  }
0x81: {  	_ =	shalt  }
0x82: {  	_ =	shalt  }
0x83: {  	_ =	shalt  }
0x84: {  	_ =	shalt  }
0x85: {  	_ =	shalt  }
0x86: {  	_ =	shalt  }
0x87: {  	_ =	shalt  }
.Lfunc_end0:
.L_simem_size_0:
called_computation.1_lowered:
.L_overlay_start_0:
0x88: {  	s2 =	sld [smem:$0x3FD9]  }
0x89: {  	s3 =	sld [smem:$0x3FFE];
	_ =	sdelay $0x1  }
0x8a: {  	s1 =	srdreg.scid  }
0x8b: {  	s0 =	sand.u32 $0x1, s1  }
0x8c: {  	s17 =	sshll.u32 s0, $0xA;
	s2 =	sadd.s32 s3, s2  }
0x8d: {  	s2 =	sadd.s32 s2, s17  }
0x8e: {  	[smem:$0x3FC0] =	sst s2  }
0x8f: {  	_ = 	snop  }
0x90: {  	s2 =	sld [smem:$0x3FD0];
	(tm) =	ssettm $0x1  }
0x91: {  	s18 =	sld [smem:$0x3FFB];
	_ =	sdelay $0x3  }
0x92: {  	_ =	strace s18  }
0x93: {  	s3 =	sld [smem:$0x3FFC];
	_ =	sdelay $0x3  }
0x94: {  	_ =	strace s3  }
0x95: {  	s3 =	sld [smem:$0x3FFD];
	_ =	sdelay $0x3  }
0x96: {  	_ =	strace s3  }
0x97: {  	_ =	strace $0x8FFFFFFF  }
0x98: {  	s19 =	sld [smem:$0x3FDB];
	_ =	sdelay $0x1  }
0x99: {  	s4 =	simm.s32 $_scs_section_size  }
0x9a: {  	s5 =	simm.s32 $_size__tile_overlayer_lowered;
	s6 =	simm.s32 $_tile_overlayer_lowered  }
0x9b: {  	s22 =	simm.s32 $0x1BFF;
	s21 =	sshll.u32 s6, $0x1;
	s3 =	sadd.s32 s4, s19  }
0x9c: {  	s7 =	simm.s32 $0x0;
	s20 =	sshll.u32 s5, $0x1;
	s5 =	sadd.s32 s21, s3  }
0x9d: {  	[timem:s7], [sflag:s22] =	dma.local [hbm:s5], s20  }
0x9e: {  	_ =	swait.ge [sflag:s22], s20  }
0x9f: {  	s4 =	ssub.s32 $0x0, s20;
	[sflag:s22] =	ssyncset.done $0x0  }
0xa0: {  	[sflag:s22] =	ssyncadd.s32 s4;
	_ =	sdelay $0x1  }
0xa1: {  	s23 =	simm.s32 $0x1B8B  }
0xa2: {  	_ =	swait.ge [sflag:s23], $0x1  }
0xa3: {  	[sflag:s23] =	ssyncset.done $0x0  }
0xa4: {  	s25 =	simm.s32 $0x1B8E;
	s24 =	sld [smem:$0x3FFE];
	[sflag:s23] =	ssyncadd.s32 $0xFFFFFFFF  }
0xa5: {  	s26 =	simm.s32 $execute0_lowered;
	[smem:$0x3FD2] =	sst s25  }
0xa6: {  	s5 =	sshll.u32 s26, $0x1;
	_ =	strace $0x80000046;
	[dreg:$0x1] =	wrdreg $0xFFFFFFFF  }
0xa7: {  	s28 =	simm.s32 $_size_execute0_lowered;
	s3 =	sadd.s32 s3, s5;
	[dreg:$0x0] =	wrdreg $0x0  }
0xa8: {  	s5 =	sshll.u32 s28, $0x1;
	[dreg:$0x2] =	wrdreg s3  }
0xa9: {  	[dreg:$0x3] =	wrdreg s5  }
0xaa: {  	[dreg:$0x4] =	wrdreg $0xC0  }
0xab: {  	_ =	task [dreg:s7], $0x5FFFF  }
0xac: {  	[dreg:$0x1] =	wrdreg $0xFFFFFFFF  }
0xad: {  	[dreg:$0x0] =	wrdreg $0x60  }
0xae: {  	[dreg:$0x2] =	wrdreg s2  }
0xaf: {  	[dreg:$0x3] =	wrdreg s24  }
0xb0: {  	[dreg:$0x4] =	wrdreg $0x4000  }
0xb1: {  	[dreg:$0x5] =	wrdreg $0x9  }
0xb2: {  	_ =	task.clear_ibuf [dreg:s7], $0x6FFFF;
	_ =	strace $0x90000046  }
0xb3: {  	s29 =	simm.s32 $0x9;
	_ =	strace $0x80000048  }
0xb4: {  	_ =	swait.ge [sflag:s29], $0x1  }
0xb5: {  	[sflag:s29] =	ssyncadd.s32 $0xFFFFFFFF  }
0xb6: {  	_ =	strace $0x90000048  }
0xb7: {  	_ =	sfence  }
0xb8: {  	s30 =	sld [smem:$0x0];
	_ =	sdelay $0x2  }
0xb9: {  	s31 =	sshll.u32 s1, $0xD;
	s1 =	sshrl.u32 s1, $0x2  }
0xba: {  	s3 =	sand.u32 $0x4000, s31;
	s1 =	sadd.s32 s1, s30  }
0xbb: {  	s0 =	sor.u32 s3, s0;
	s1 =	sshll.u32 s1, $0x11  }
0xbc: {  	s0 =	sor.u32 s1, s0  }
0xbd: {  	s0 =	sadd.s32 $0x8F2B, s0  }
0xbe: {  	[sflag:s0] =	ssyncadd.remote.s32 $0x1  }
0xbf: {  	_ =	sfence.sel $0xFFFF  }
0xc0: {  	[dreg:$0x0] =	wrdreg $0xFFFFFFFF;
	(pc) =	sbr.abs _section_cstart, $3  }
0xc1: {  	[dreg:$0x1] =	wrdreg $0xFFFFFFFF  }
0xc2: {  	_ =	task.clear_ibuf [dreg:s7], $0x2FFFF;
	_ =	strace $0x9FFFFFFF  }
0xc3: {  	(tm) =	ssettm $0x7FFFFFFF  }
tec
execute0_lowered:
.L_overlay_start_1:
0x0: {  	(tag) =	ssettag $0x1  }
0x1: {  	s6 =	rddreg [dreg:$0x0]  }
0x2: {  	s4 =	rddreg [dreg:$0x1]  }
0x3: {  	s7 =	stileid.u32;
	s0 =	srdreg.scid  }
0x4: {  	s1 =	rddreg [dreg:$0x2];
	s2 =	simm.s32 $0x0;
	s13 =	simm.s32 $0x100  }
0x5: {  	s14 =	simm.s32 $0x8678;
	s15 =	simm.s32 $0x180;
	s16 =	simm.s32 $0xC678  }
0x6: {  	s17 =	simm.s32 $0x2;
	s18 =	simm.s32 $0x200;
	s19 =	simm.s32 $0x280  }
0x7: {  	s20 =	simm.s32 $0x3;
	s21 =	simm.s32 $0x300;
	s22 =	simm.s32 $0x380  }
0x8: {  	s5 =	smul.u32 $0xC8000, s7;
	s3 =	sand.u32 $0x1, s0;
	s0 =	rddreg [dreg:$0x3]  }
0x9: {  	s23 =	simm.s32 $0x0;
	[smem:$0x7FF] =	sst s2;
	s10 =	smul.u32 $0xC800, s7  }
0xa: {  	p0 =	sne.s32 s7, $0x0;
	s8 =	smul.u32 $0x64000, s3;
	s9 =	ssub.s32 $0x2, s3  }
0xb: {  	_ =	strace $0x80000047;
	s12 =	smul.u32 $0x6400, s3;
	s3 =	sadd.s32 $0x1400, s4  }
0xc: {  	s7 =	sshrl.u32 @!p0 s1, $0x3;
	s11 =	sshrl.u32 s9, $0x1;
	s5 =	sadd.s32 s5, s4  }
0xd: {  	s30 =	ssub.s32 s9, s11;
	s5 =	sadd.s32 s8, s5;
	s31 =	sadd.s32 s12, s10  }
0xe: {  	s9 =	simm.s32 $0x80;
	s10 =	simm.s32 $0x678;
	s11 =	simm.s32 $0x4678  }
0xf: {  	s12 =	simm.s32 $0x1;
	s4 =	smax.u32 s30, $0x1;
	s8 =	sshrl.u32 s31, $0x3  }
0x10: {  	s5 =	sadd.s32 $0x1C00, s5;
	s6 =	sadd.s32 s8, s6;
	s8 =	simm.s32 $0x4  }
.LBB2_1:
0x11: {  	s24 =	simm.s32 @!p0 $0x1C04  }
0x12: {  	[spmem:s7], [sflag:s24] =	dma.local @!p0 [hbm:s3], $0x640  }
0x13: {  	s24 =	simm.s32 @!p0 $0x4  }
0x14: {  	_ =	swait.ge @!p0 [sflag:s24], $0x640  }
0x15: {  	[sflag:s24] =	ssyncset.done @!p0 $0x0  }
0x16: {  	[sflag:s24] =	ssyncadd.s32 @!p0 $0xFFFFF9C0  }
0x17: {  	[bflag:$0x0] =	sbarrier.arrive $0xFFFF  }
0x18: {  	[tilespmem:s2], [sflag:$0x4] =	stream.linear.gather [hbm4b:s6+s2], $0x400, $0x38;
	[tilespmem:$0x10678] =	vst v63  }
0x19: {  	_ =	swait.ge [sflag:s8], $0x400  }
0x1a: {  	p1 =	por $0x1, $0x1;
	[sflag:s8] =	ssyncset.done $0x0  }
0x1b: {  	s24 =	simm.s32 @!p1 $0x2;
	[sflag:s8] =	ssyncadd.s32 $0xFFFFFC00  }
0x1c: {  	_ =	swait.ge @!p1 [sflag:s24], $0x8000  }
0x1d: {  	[sflag:s24] =	ssyncset.done @!p1 $0x0  }
0x1e: {  	[sflag:s24] =	ssyncadd.s32 @!p1 $0xFFFF8000  }
0x1f: {  	[tilespmem:s10], [sflag:$0x1] =	stream.indirect.gather [spmem:s1], $0x64, s2, s9, $0xb8;
	[tilespmem:$0x10678] =	vst v63  }
0x20: {  	_ = 	snop  }
0x21: {  	[tilespmem:s11], [sflag:$0x1] =	stream.indirect.gather [spmem:s1], $0x64, s9, s9, $0xb8;
	[tilespmem:$0x10678] =	vst v63  }
0x22: {  	_ =	swait.ge [sflag:s12], $0x3200  }
0x23: {  	[sflag:s12] =	ssyncset.done $0x0  }
0x24: {  	[sflag:s12] =	ssyncadd.s32 $0xFFFFCE00  }
0x25: {  	_ =	swait.ge [sflag:s12], $0x3200  }
0x26: {  	[sflag:s12] =	ssyncset.done $0x0  }
0x27: {  	s25 =	sadd.s32 $0x0, s5;
	s24 =	simm.s32 @!p1 $0x3;
	[sflag:s12] =	ssyncadd.s32 $0xFFFFCE00  }
0x28: {  	[hbm4b:s25+s2] =	stream.linear.scatter [tilespmem:s10], [sflag:$0x2], $0x8000, $0x38;
	[tilespmem:$0x10678] =	vst v63  }
0x29: {  	_ =	swait.ge @!p1 [sflag:s24], $0x8000  }
0x2a: {  	[sflag:s24] =	ssyncset.done @!p1 $0x0  }
0x2b: {  	[sflag:s24] =	ssyncadd.s32 @!p1 $0xFFFF8000  }
0x2c: {  	[tilespmem:s14], [sflag:$0x1] =	stream.indirect.gather [spmem:s1], $0x64, s13, s9, $0xb8;
	[tilespmem:$0x10678] =	vst v63  }
0x2d: {  	_ = 	snop  }
0x2e: {  	[tilespmem:s16], [sflag:$0x1] =	stream.indirect.gather [spmem:s1], $0x64, s15, s9, $0xb8;
	[tilespmem:$0x10678] =	vst v63  }
0x2f: {  	_ =	swait.ge [sflag:s12], $0x3200  }
0x30: {  	[sflag:s12] =	ssyncset.done $0x0  }
0x31: {  	[sflag:s12] =	ssyncadd.s32 $0xFFFFCE00  }
0x32: {  	_ =	swait.ge [sflag:s12], $0x3200  }
0x33: {  	[sflag:s12] =	ssyncset.done $0x0  }
0x34: {  	s30 =	sadd.s32 $0x1000, s25;
	[sflag:s12] =	ssyncadd.s32 $0xFFFFCE00  }
0x35: {  	[hbm4b:s30+s2] =	stream.linear.scatter [tilespmem:s14], [sflag:$0x3], $0x8000, $0x38;
	[tilespmem:$0x10678] =	vst v63  }
0x36: {  	_ =	swait.ge [sflag:s17], $0x8000  }
0x37: {  	[sflag:s17] =	ssyncset.done $0x0  }
0x38: {  	[sflag:s17] =	ssyncadd.s32 $0xFFFF8000  }
0x39: {  	[tilespmem:s10], [sflag:$0x1] =	stream.indirect.gather [spmem:s1], $0x64, s18, s9, $0xb8;
	[tilespmem:$0x10678] =	vst v63  }
0x3a: {  	_ = 	snop  }
0x3b: {  	[tilespmem:s11], [sflag:$0x1] =	stream.indirect.gather [spmem:s1], $0x64, s19, s9, $0xb8;
	[tilespmem:$0x10678] =	vst v63  }
0x3c: {  	_ =	swait.ge [sflag:s12], $0x3200  }
0x3d: {  	[sflag:s12] =	ssyncset.done $0x0  }
0x3e: {  	[sflag:s12] =	ssyncadd.s32 $0xFFFFCE00  }
0x3f: {  	_ =	swait.ge [sflag:s12], $0x3200  }
0x40: {  	[sflag:s12] =	ssyncset.done $0x0  }
0x41: {  	s31 =	sadd.s32 $0x2000, s25;
	[sflag:s12] =	ssyncadd.s32 $0xFFFFCE00  }
0x42: {  	[hbm4b:s31+s2] =	stream.linear.scatter [tilespmem:s10], [sflag:$0x2], $0x8000, $0x38;
	[tilespmem:$0x10678] =	vst v63  }
0x43: {  	_ =	swait.ge [sflag:s20], $0x8000  }
0x44: {  	[sflag:s20] =	ssyncset.done $0x0  }
0x45: {  	[sflag:s20] =	ssyncadd.s32 $0xFFFF8000  }
0x46: {  	[tilespmem:s14], [sflag:$0x1] =	stream.indirect.gather [spmem:s1], $0x64, s21, s9, $0xb8;
	[tilespmem:$0x10678] =	vst v63  }
0x47: {  	_ = 	snop  }
0x48: {  	[tilespmem:s16], [sflag:$0x1] =	stream.indirect.gather [spmem:s1], $0x64, s22, s9, $0xb8;
	[tilespmem:$0x10678] =	vst v63  }
0x49: {  	_ =	swait.ge [sflag:s12], $0x3200  }
0x4a: {  	[sflag:s12] =	ssyncset.done $0x0  }
0x4b: {  	[sflag:s12] =	ssyncadd.s32 $0xFFFFCE00  }
0x4c: {  	_ =	swait.ge [sflag:s12], $0x3200  }
0x4d: {  	s26 =	sadd.s32 $0x3000, s25;
	[sflag:s12] =	ssyncset.done $0x0  }
0x4e: {  	s25 =	sadd.s32 $0x80, s6;
	s24 =	simm.s32 $0x4000;
	[sflag:s12] =	ssyncadd.s32 $0xFFFFCE00  }
.LBB2_2:
0x4f: {  	[hbm4b:s26+s2] =	stream.linear.scatter [tilespmem:s14], [sflag:$0x3], $0x8000, $0x38;
	[tilespmem:$0x10678] =	vst v63  }
0x50: {  	s26 =	smov.u32 s24;
	s24 =	sadd.s32 $0x4000, s24  }
0x51: {  	[tilespmem:s2], [sflag:$0x4] =	stream.linear.gather [hbm4b:s25+s2], $0x400, $0x38;
	[tilespmem:$0x10678] =	vst v63  }
0x52: {  	p1 =	sne.s32 s24, $0x64000;
	_ =	swait.ge [sflag:s8], $0x400  }
0x53: {  	p2 =	seq.s32 s26, $0x0;
	[sflag:s8] =	ssyncset.done $0x0  }
0x54: {  	s28 =	simm.s32 @!p2 $0x2;
	[sflag:s8] =	ssyncadd.s32 $0xFFFFFC00  }
0x55: {  	_ =	swait.ge @!p2 [sflag:s28], $0x8000  }
0x56: {  	[sflag:s28] =	ssyncset.done @!p2 $0x0  }
0x57: {  	[sflag:s28] =	ssyncadd.s32 @!p2 $0xFFFF8000  }
0x58: {  	[tilespmem:s10], [sflag:$0x1] =	stream.indirect.gather [spmem:s1], $0x64, s2, s9, $0xb8;
	[tilespmem:$0x10678] =	vst v63  }
0x59: {  	_ = 	snop  }
0x5a: {  	[tilespmem:s11], [sflag:$0x1] =	stream.indirect.gather [spmem:s1], $0x64, s9, s9, $0xb8;
	[tilespmem:$0x10678] =	vst v63  }
0x5b: {  	_ =	swait.ge [sflag:s12], $0x3200  }
0x5c: {  	[sflag:s12] =	ssyncset.done $0x0  }
0x5d: {  	[sflag:s12] =	ssyncadd.s32 $0xFFFFCE00  }
0x5e: {  	_ =	swait.ge [sflag:s12], $0x3200  }
0x5f: {  	[sflag:s12] =	ssyncset.done $0x0  }
0x60: {  	s26 =	sadd.s32 s26, s5;
	s28 =	simm.s32 @!p2 $0x3;
	[sflag:s12] =	ssyncadd.s32 $0xFFFFCE00  }
0x61: {  	[hbm4b:s26+s2] =	stream.linear.scatter [tilespmem:s10], [sflag:$0x2], $0x8000, $0x38;
	[tilespmem:$0x10678] =	vst v63  }
0x62: {  	_ =	swait.ge @!p2 [sflag:s28], $0x8000  }
0x63: {  	[sflag:s28] =	ssyncset.done @!p2 $0x0  }
0x64: {  	[sflag:s28] =	ssyncadd.s32 @!p2 $0xFFFF8000  }
0x65: {  	[tilespmem:s14], [sflag:$0x1] =	stream.indirect.gather [spmem:s1], $0x64, s13, s9, $0xb8;
	[tilespmem:$0x10678] =	vst v63  }
0x66: {  	_ = 	snop  }
0x67: {  	[tilespmem:s16], [sflag:$0x1] =	stream.indirect.gather [spmem:s1], $0x64, s15, s9, $0xb8;
	[tilespmem:$0x10678] =	vst v63  }
0x68: {  	_ =	swait.ge [sflag:s12], $0x3200  }
0x69: {  	[sflag:s12] =	ssyncset.done $0x0  }
0x6a: {  	[sflag:s12] =	ssyncadd.s32 $0xFFFFCE00  }
0x6b: {  	_ =	swait.ge [sflag:s12], $0x3200  }
0x6c: {  	[sflag:s12] =	ssyncset.done $0x0  }
0x6d: {  	s28 =	sadd.s32 $0x1000, s26;
	[sflag:s12] =	ssyncadd.s32 $0xFFFFCE00  }
0x6e: {  	[hbm4b:s28+s2] =	stream.linear.scatter [tilespmem:s14], [sflag:$0x3], $0x8000, $0x38;
	[tilespmem:$0x10678] =	vst v63  }
0x6f: {  	_ =	swait.ge [sflag:s17], $0x8000  }
0x70: {  	[sflag:s17] =	ssyncset.done $0x0  }
0x71: {  	[sflag:s17] =	ssyncadd.s32 $0xFFFF8000  }
0x72: {  	[tilespmem:s10], [sflag:$0x1] =	stream.indirect.gather [spmem:s1], $0x64, s18, s9, $0xb8;
	[tilespmem:$0x10678] =	vst v63  }
0x73: {  	_ = 	snop  }
0x74: {  	[tilespmem:s11], [sflag:$0x1] =	stream.indirect.gather [spmem:s1], $0x64, s19, s9, $0xb8;
	[tilespmem:$0x10678] =	vst v63  }
0x75: {  	_ =	swait.ge [sflag:s12], $0x3200  }
0x76: {  	[sflag:s12] =	ssyncset.done $0x0  }
0x77: {  	[sflag:s12] =	ssyncadd.s32 $0xFFFFCE00  }
0x78: {  	_ =	swait.ge [sflag:s12], $0x3200  }
0x79: {  	[sflag:s12] =	ssyncset.done $0x0  }
0x7a: {  	s28 =	sadd.s32 $0x2000, s26;
	[sflag:s12] =	ssyncadd.s32 $0xFFFFCE00  }
0x7b: {  	[hbm4b:s28+s2] =	stream.linear.scatter [tilespmem:s10], [sflag:$0x2], $0x8000, $0x38;
	[tilespmem:$0x10678] =	vst v63  }
0x7c: {  	_ =	swait.ge [sflag:s20], $0x8000  }
0x7d: {  	[sflag:s20] =	ssyncset.done $0x0  }
0x7e: {  	[sflag:s20] =	ssyncadd.s32 $0xFFFF8000  }
0x7f: {  	[tilespmem:s14], [sflag:$0x1] =	stream.indirect.gather [spmem:s1], $0x64, s21, s9, $0xb8;
	[tilespmem:$0x10678] =	vst v63  }
0x80: {  	_ = 	snop  }
0x81: {  	[tilespmem:s16], [sflag:$0x1] =	stream.indirect.gather [spmem:s1], $0x64, s22, s9, $0xb8;
	[tilespmem:$0x10678] =	vst v63  }
0x82: {  	_ =	swait.ge [sflag:s12], $0x3200  }
.Ltmp0:
0x83: {  	[sflag:s12] =	ssyncset.done $0x0;
	(pc) =	sbr.rel @p1 .LBB2_2-.Ltmp0, $4  }
0x84: {  	[sflag:s12] =	ssyncadd.s32 $0xFFFFCE00  }
0x85: {  	_ =	swait.ge [sflag:s12], $0x3200  }
0x86: {  	[sflag:s12] =	ssyncset.done $0x0  }
0x87: {  	s25 =	sadd.s32 $0x80, s25;
	s26 =	sadd.s32 $0x3000, s26;
	[sflag:s12] =	ssyncadd.s32 $0xFFFFCE00  }
0x88: {  	[hbm4b:s26+s2] =	stream.linear.scatter [tilespmem:s14], [sflag:$0x3], $0x8000, $0x38;
	[tilespmem:$0x10678] =	vst v63  }
0x89: {  	s23 =	sadd.s32 $0x1, s23  }
0x8a: {  	_ =	swait.ge [sflag:s17], $0x8000;
	p1 =	sne.s32 s23, s4  }
.Ltmp1:
0x8b: {  	[sflag:s17] =	ssyncset.done $0x0;
	(pc) =	sbr.rel @p1 .LBB2_1-.Ltmp1, $4  }
0x8c: {  	[sflag:s17] =	ssyncadd.s32 $0xFFFF8000  }
0x8d: {  	_ =	swait.ge [sflag:s20], $0x8000  }
0x8e: {  	[sflag:s20] =	ssyncset.done $0x0  }
0x8f: {  	[sflag:s20] =	ssyncadd.s32 $0xFFFF8000  }
0x90: {  	_ =	sfence.sel $0x180000  }
0x91: {  	[bflag:$0x0] =	sbarrier.arrive $0xFFFF  }
0x92: {  	_ =	strace $0x90000047  }
0x93: {  	s0 =	sadd.s32 @!p0 $0x100000, s0;
	[bflag:$0x2] =	sbarrier.arrive $0xFFFF  }
0x94: {  	[sflag:s0] =	ssyncadd.tile.s32 @!p0 $0x1;
	_ =	shalt  }
.Lfunc_end2:
_tile_overlayer_lowered:
.L_overlay_start_2:
0x95: {  	(tag) =	ssettag $0x2  }
0x96: {  	s0 =	rddreg [dreg:$0x0];
	s2 =	stileid.u32  }
0x97: {  	s1 =	rddreg [dreg:$0x1];
	p0 =	sne.s32 s2, $0x0  }
0x98: {  	s3 =	rddreg [dreg:$0x2];
	[bflag:$0x3] =	sbarrier.arrive $0xFFFF;
	s2 =	simm.s32 @!p0 $0x1C04  }
0x99: {  	[timem:s3], [sflag:s2] =	dma.local @!p0 [hbm:s0], s1  }
0x9a: {  	s0 =	simm.s32 @!p0 $0x4  }
0x9b: {  	_ =	swait.ge @!p0 [sflag:s0], s1  }
0x9c: {  	s1 =	ssub.s32 @!p0 $0x0, s1;
	[sflag:s0] =	ssyncset.done @!p0 $0x0  }
0x9d: {  	[sflag:s0] =	ssyncadd.s32 @!p0 s1  }
0x9e: {  	[bflag:$0x3] =	sbarrier.arrive $0xFFFF  }
0x9f: {  	_ =	shalt  }

// kernel: sparse-core-data-format-call.cloned.1.call-start
scs
called_computation_lowered:
.L_overlay_start_0:
0x0: {  	s2 =	sld [smem:$0x3FD9]  }
0x1: {  	s3 =	sld [smem:$0x3FFE];
	_ =	sdelay $0x1  }
0x2: {  	s1 =	srdreg.scid  }
0x3: {  	s0 =	sand.u32 $0x1, s1  }
0x4: {  	s18 =	sshll.u32 s0, $0xA;
	s2 =	sadd.s32 s3, s2  }
0x5: {  	s2 =	sadd.s32 s2, s18  }
0x6: {  	[smem:$0x3FC0] =	sst s2  }
0x7: {  	_ = 	snop  }
0x8: {  	s2 =	sld [smem:$0x3FD0];
	(tm) =	ssettm $0x1  }
0x9: {  	s19 =	sld [smem:$0x3FFB];
	_ =	sdelay $0x3  }
0xa: {  	_ =	strace s19  }
0xb: {  	s3 =	sld [smem:$0x3FFC];
	_ =	sdelay $0x3  }
0xc: {  	_ =	strace s3  }
0xd: {  	s3 =	sld [smem:$0x3FFD];
	_ =	sdelay $0x3  }
0xe: {  	_ =	strace s3  }
0xf: {  	_ =	strace $0x8FFFFFFF  }
0x10: {  	s20 =	sld [smem:$0x3FDB];
	_ =	sdelay $0x1  }
0x11: {  	s4 =	simm.s32 $_scs_section_size  }
0x12: {  	s5 =	simm.s32 $_size__tile_overlayer_lowered;
	s6 =	simm.s32 $_tile_overlayer_lowered  }
0x13: {  	s23 =	simm.s32 $0x1BFF;
	s22 =	sshll.u32 s6, $0x1;
	s3 =	sadd.s32 s4, s20  }
0x14: {  	s7 =	simm.s32 $0x0;
	s21 =	sshll.u32 s5, $0x1;
	s5 =	sadd.s32 s22, s3  }
0x15: {  	[timem:s7], [sflag:s23] =	dma.local [hbm:s5], s21  }
0x16: {  	_ =	swait.ge [sflag:s23], s21  }
0x17: {  	s4 =	ssub.s32 $0x0, s21;
	[sflag:s23] =	ssyncset.done $0x0  }
0x18: {  	[sflag:s23] =	ssyncadd.s32 s4;
	_ =	sdelay $0x1  }
0x19: {  	s24 =	simm.s32 $0x1B8B  }
0x1a: {  	_ =	swait.ge [sflag:s24], $0x1  }
0x1b: {  	[sflag:s24] =	ssyncset.done $0x0  }
0x1c: {  	s26 =	simm.s32 $0x1B8E;
	s25 =	sld [smem:$0x3FFE];
	[sflag:s24] =	ssyncadd.s32 $0xFFFFFFFF  }
0x1d: {  	s27 =	simm.s32 $execute0_lowered;
	[smem:$0x3FD2] =	sst s26  }
0x1e: {  	s5 =	sshll.u32 s27, $0x1;
	_ =	strace $0x80000049;
	[dreg:$0x1] =	wrdreg $0xFFFFFFFF  }
0x1f: {  	s28 =	simm.s32 $_size_execute0_lowered;
	s3 =	sadd.s32 s3, s5;
	[dreg:$0x0] =	wrdreg $0x0  }
0x20: {  	s5 =	sshll.u32 s28, $0x1;
	[dreg:$0x2] =	wrdreg s3  }
0x21: {  	[dreg:$0x3] =	wrdreg s5  }
0x22: {  	[dreg:$0x4] =	wrdreg $0xC0  }
0x23: {  	_ =	task [dreg:s7], $0x5FFFF  }
0x24: {  	[dreg:$0x1] =	wrdreg $0xFFFFFFFF  }
0x25: {  	[dreg:$0x0] =	wrdreg $0x60  }
0x26: {  	[dreg:$0x2] =	wrdreg s25  }
0x27: {  	[dreg:$0x3] =	wrdreg s2  }
0x28: {  	[dreg:$0x4] =	wrdreg $0x9  }
0x29: {  	_ =	task.clear_ibuf [dreg:s7], $0x5FFFF;
	_ =	strace $0x90000049  }
0x2a: {  	s29 =	simm.s32 $0x9;
	_ =	strace $0x8000004B  }
0x2b: {  	_ =	swait.ge [sflag:s29], $0x1  }
0x2c: {  	[sflag:s29] =	ssyncadd.s32 $0xFFFFFFFF  }
0x2d: {  	_ =	strace $0x9000004B  }
0x2e: {  	_ =	sfence  }
0x2f: {  	s30 =	sld [smem:$0x0];
	_ =	sdelay $0x2  }
0x30: {  	s31 =	sshll.u32 s1, $0xD;
	s1 =	sshrl.u32 s1, $0x2  }
0x31: {  	s3 =	sand.u32 $0x4000, s31;
	s1 =	sadd.s32 s1, s30  }
0x32: {  	s0 =	sor.u32 s3, s0;
	s1 =	sshll.u32 s1, $0x11  }
0x33: {  	s0 =	sor.u32 s1, s0  }
0x34: {  	s0 =	sadd.s32 $0x8F2B, s0  }
0x35: {  	[sflag:s0] =	ssyncadd.remote.s32 $0x1  }
0x36: {  	_ =	sfence.sel $0xFFFF  }
0x37: {  	[dreg:$0x0] =	wrdreg $0xFFFFFFFF;
	(pc) =	sbr.abs _section_cstart, $3  }
0x38: {  	[dreg:$0x1] =	wrdreg $0xFFFFFFFF  }
0x39: {  	_ =	task.clear_ibuf [dreg:s7], $0x2FFFF;
	_ =	strace $0x9FFFFFFF  }
0x3a: {  	(tm) =	ssettm $0x7FFFFFFF  }
0x3b: {  	_ =	shalt  }
tec
execute0_lowered:
.L_overlay_start_1:
0x0: {  	(tag) =	ssettag $0x1  }
0x1: {  	s0 =	srdreg.scid  }
0x2: {  	s1 =	sshll.u32 s0, $0x4  }
0x3: {  	s6 =	rddreg [dreg:$0x0];
	s0 =	stileid.u32;
	s1 =	sand.u32 $0x10, s1  }
0x4: {  	s3 =	rddreg [dreg:$0x1];
	s1 =	sor.u32 s0, s1  }
0x5: {  	s5 =	simm.s32 $0x1;
	s31 =	simm.s32 $0x2;
	s2 =	sshll.u32 s1, $0x7  }
0x6: {  	s15 =	simm.s32 $0x0;
	s8 =	simm.s32 $0xC8000;
	s4 =	ssub.s32 $0x1000, s2  }
0x7: {  	s14 =	simm.s32 $0x0;
	s9 =	simm.s32 $0x0;
	s30 =	sand.u32 $0xF80, s4  }
0x8: {  	s10 =	simm.s32 $0x0;
	s11 =	simm.s32 $0x0;
	p0 =	sne.s32 s30, $0x0  }
.Ltmp0:
0x9: {  	s7 =	sshrl.u32 s4, $0xC;
	s5 =	simm.s32 @!p0 $0x0;
	(pc) =	sbr.rel .LBB1_1-.Ltmp0, $4  }
0xa: {  	s13 =	simm.s32 $0x0;
	s1 =	rddreg [dreg:$0x2];
	s5 =	sadd.s32 s5, s7  }
0xb: {  	_ =	strace $0x8000004A;
	s4 =	simm.s32 $0x1;
	s5 =	smul.u32 $0xC8, s5  }
0xc: {  	s6 =	sadd.s32 $0x1C00, s6;
	s12 =	smov.u32 s2;
	[sflag:s4] =	ssyncpa.u1 $0x0  }
0xd: {  	[sflag:s31] =	ssyncpa.u1 $0x0;
	p0 =	por $0x0, $0x0;
	s7 =	sor.u32 $0x1, s5  }
.LBB1_4:
0xe: {  	s20 =	sshra.s32 s20, $0x2;
	s27 =	sshll.u32 s9, $0xC  }
0xf: {  	s21 =	sand.u32 $0x78, s10;
	s22 =	sshll.u32 s10, $0x3;
	s24 =	sshll.u32 s9, $0x7  }
0x10: {  	p1 =	sgt.s32 s9, $0xC7;
	s30 =	sshra.s32 s9, $0x1F;
	s25 =	sshra.s32 s10, $0x1F  }
0x11: {  	s19 =	sadd.s32 s20, s19;
	s20 =	sand.u32 $0xFFFF8000, s27;
	s23 =	sand.u32 $0xFFFFFC00, s22  }
0x12: {  	v5 =	vld [tilespmem:s17+$0xFFFFFFD0];
	[tilespmem:s18+$0x2040 ss:$0x81] =	vst.msk $0xffff, v4;
	s22 =	sand.u32 $0xC00, s22;
	s28 =	sand.u32 $0x380, s24;
	s31 =	sand.u32 s30, s9  }
0x13: {  	v58 =	vld [tilespmem:s17+$0xFFFFFFE0];
	[tilespmem:s18+$0x2850 ss:$0x81] =	vst.msk $0xffff, v3;
	s24 =	smov.u32 s10;
	s25 =	sand.u32 s25, s10;
	s20 =	sadd.s32 s23, s20  }
0x14: {  	v59 =	vld [tilespmem:s17+$0xFFFFFFF0];
	[tilespmem:s18+$0x3060 ss:$0x81] =	vst.msk $0xffff, v2;
	s21 =	sor.u32 s21, s22;
	s22 =	smov.u32 s9;
	s20 =	sshrl.u32 s20, $0xC  }
0x15: {  	v60 =	vld [tilespmem:s17+$0x0];
	[tilespmem:s18+$0x0 ss:$0x81] =	vst.msk $0xffff, v1;
	s22 =	simm.s32 @!p1 $0xC7;
	p1 =	sgt.s32 s10, $0xF80;
	s29 =	smulhi.u32 $0x147AE15, s20  }
0x16: {  	v61 =	vld [tilespmem:s17+$0x10];
	[tilespmem:s19+$0x3870 ss:$0x81] =	vst.msk $0xffff, v0;
	s21 =	sor.u32 s28, s21;
	s18 =	ssub.s32 s22, s31;
	s24 =	simm.s32 @!p1 $0xF80  }
0x17: {  	v62 =	vld [tilespmem:s17+$0x20];
	[tilespmem:s19+$0x810 ss:$0x81] =	vst.msk $0xffff, v5;
	s22 =	ssub.s32 s24, s25;
	s26 =	ssub.s32 $0xC8, s18;
	s23 =	smul.u32 $0xC8, s29  }
0x18: {  	v63 =	vld [tilespmem:s17+$0xFFFFFFC0];
	[tilespmem:s19+$0x1020 ss:$0x81] =	vst.msk $0xffff, v58;
	s27 =	sadd.s32 $0xFFFFFF39, s18;
	s18 =	smul.u32 $0x64, s26;
	s28 =	sadd.s32 $0xFFFFF080, s22  }
0x19: {  	[tilespmem:s19+$0x1830 ss:$0x81] =	vst.msk $0xffff, v59;
	p1 =	sgt.s32 s27, $0x0;
	s17 =	ssub.s32 $0x1000, s22;
	p2 =	sgt.s32 s28, $0x7F  }
0x1a: {  	s30 =	sand.u32 $0x7, s10;
	[tilespmem:s19+$0x2040 ss:$0x81] =	vst.msk $0xffff, v60;
	s18 =	simm.s32 @p1 $0x0;
	s17 =	simm.s32 @p2 $0x0  }
0x1b: {  	[tilespmem:s19+$0x2850 ss:$0x81] =	vst.msk $0xffff, v61;
	s29 =	sshrl.u32 s21, $0x3;
	s20 =	ssub.s32 s20, s23;
	s17 =	smul.u32 s17, s18  }
0x1c: {  	[tilespmem:s19+$0x3060 ss:$0x81] =	vst.msk $0xffff, v62;
	s21 =	sshll.u32 s30, $0x12;
	s20 =	sshll.u32 s20, $0x9;
	s18 =	sadd.s32 s3, s29  }
0x1d: {  	[tilespmem:s19+$0x0 ss:$0x81] =	vst.msk $0xffff, v63;
	s31 =	sor.u32 $0x80, s21;
	s18 =	sadd.s32 s20, s18;
	s17 =	sand.u32 $0x3FFFFFFC, s17  }
0x1e: {  	[hbm4b:s18+s31] =	stream.strided.scatter [tilespmem:s16], [sflag:$0x2], s17, s8, s31, $0x20;
	[tilespmem:$0x10100] =	vst v63  }
.LBB1_5:
0x1f: {  	p1 =	slt.u32 s13, $0x2  }
0x20: {  	s17 =	smov.u32 s15;
	p2 =	sgt.s32 @!p1 s15, $0xC7;
	s16 =	sshra.s32 @!p1 s15, $0x1F  }
0x21: {  	p3 =	sgt.s32 @!p1 s14, $0xF80;
	s18 =	sshra.s32 @!p1 s14, $0x1F;
	p2 =	por !p2, p1  }
0x22: {  	s15 =	sand.u32 @!p1 s16, s15;
	p3 =	por !p3, p1;
	s16 =	smov.u32 s14  }
0x23: {  	s14 =	sand.u32 @!p1 s18, s14;
	s17 =	simm.s32 @p2 $0xC7;
	s16 =	simm.s32 @p3 $0xF80  }
0x24: {  	s18 =	smov.u32 s12;
	s15 =	ssub.s32 @!p1 s17, s15;
	s14 =	ssub.s32 @!p1 s16, s14  }
0x25: {  	s16 =	sadd.s32 @!p1 $0xFFFFFF39, s15;
	s15 =	ssub.s32 @!p1 $0xC8, s15;
	s17 =	sadd.s32 @!p1 $0xFFFFF080, s14  }
0x26: {  	p2 =	sgt.s32 @!p1 s16, $0x0;
	s15 =	smul.u32 @!p1 $0x64, s15;
	p3 =	sgt.s32 @!p1 s17, $0x7F  }
0x27: {  	s14 =	ssub.s32 @!p1 $0x1000, s14;
	p2 =	por !p2, p1;
	p3 =	por !p3, p1  }
0x28: {  	s16 =	sadd.s32 $0x1, s11;
	s15 =	simm.s32 @!p2 $0x0;
	s14 =	simm.s32 @!p3 $0x0  }
0x29: {  	p2 =	sgt.s32 s16, $0xC7;
	s14 =	smul.u32 @!p1 s14, s15;
	s15 =	sadd.s32 $0x1000, s12  }
0x2a: {  	s18 =	smov.u32 @p2 s15  }
0x2b: {  	s16 =	simm.s32 @p2 $0x0;
	p2 =	sgt.s32 s18, $0xFFF  }
0x2c: {  	s18 =	smov.u32 @p2 s2;
	p2 =	sne.s32 s13, s7  }
.Ltmp1:
0x2d: {  	p0 =	por !p0, !p0;
	s17 =	simm.s32 @!p1 $0x2;
	(pc) =	sbr.rel @!p2 .LBB1_6-.Ltmp1, $4  }
0x2e: {  	s15 =	smov.u32 s9;
	s9 =	smov.u32 s11;
	s14 =	sand.u32 @!p1 $0x3FFFFFFC, s14  }
0x2f: {  	s11 =	smov.u32 s16;
	_ =	swait.ge @!p1 [sflag:s17], s14;
	s19 =	ssub.s32 @!p1 $0x0, s14  }
0x30: {  	s14 =	smov.u32 s10;
	s13 =	sadd.s32 $0x1, s13;
	[sflag:s17] =	ssyncset.done @!p1 $0x0  }
0x31: {  	s10 =	smov.u32 s12;
	s12 =	smov.u32 s18;
	[sflag:s17] =	ssyncadd.s32 @!p1 s19  }
.LBB1_1:
0x32: {  	p1 =	sge.u32 s13, s5  }
0x33: {  	s16 =	sand.u32 @!p1 $0x1FFFFFF, s11  }
0x34: {  	s17 =	smulhi.u32 @!p1 $0x147AE15, s16;
	_ =	sdelay $0x1  }
0x35: {  	s17 =	smul.u32 @!p1 $0xC8, s17  }
0x36: {  	s18 =	sxor.u32 @!p1 $0xFFFFFFFF, s13;
	s19 =	smul.u32 @!p1 $0xC80, s12  }
0x37: {  	s31 =	sadd.s32 $0xFFFFFFFF, s13;
	s18 =	sshll.u32 @!p1 s18, $0xE;
	s16 =	ssub.s32 @!p1 s16, s17  }
0x38: {  	s17 =	sand.u32 @!p1 $0x4000, s18;
	s18 =	sadd.s32 @!p1 s6, s19;
	s16 =	sshll.u32 @!p1 s16, $0x4  }
0x39: {  	s19 =	simm.s32 @!p1 $0x6400;
	s16 =	sadd.s32 @!p1 s16, s18;
	s18 =	simm.s32 @!p1 $0x80  }
0x3a: {  	[tilespmem:s17], [sflag:$0x1] =	stream.strided.gather @!p1 [hbm4b:s16+s18], $0x4000, s19, s18, $0x38;
	[tilespmem:$0x10100] =	vst v63  }
0x3b: {  	p1 =	sge.u32 s31, s5  }
.Ltmp2:
0x3c: {  	_ = 	snop;
	(pc) =	sbr.rel @p1 .LBB1_5-.Ltmp2, $1  }
0x3d: {  	_ =	sdelay $0x3  }
0x3e: {  	s16 =	simm.s32 $0x1  }
0x3f: {  	_ =	swait.ge [sflag:s4], $0x4000;
	s16 =	simm.s32 @!p0 $0x0  }
0x40: {  	[sflag:s4] =	ssyncset.done $0x0;
	s17 =	sshll.u32 s16, $0xE  }
0x41: {  	[sflag:s4] =	ssyncadd.s32 $0xFFFFC000;
	s17 =	sor.u32 $0x40, s17  }
0x42: {  	s16 =	smul.u32 $0x10200, s16;
	v0 =	vld [tilespmem:s17+$0x30]  }
0x43: {  	v1 =	vld [tilespmem:s17+$0xFFFFFFD0]  }
0x44: {  	s16 =	sshrl.u32 s16, $0x2;
	v5 =	vld [tilespmem:s17+$0xFFFFFFE0]  }
0x45: {  	v6 =	vld [tilespmem:s17+$0xFFFFFFF0];
	s19 =	sor.u32 $0x8000, s16  }
0x46: {  	s31 =	sand.u32 $0x1, s13;
	v4 =	vld [tilespmem:s17+$0x0];
	s18 =	sadd.s32 $0x0, s19  }
0x47: {  	v3 =	vld [tilespmem:s17+$0x10];
	s16 =	smul.u32 $0x10200, s31;
	[tilespmem:s18+$0x3870 ss:$0x81] =	vst.msk $0xffff, v0  }
0x48: {  	v2 =	vld [tilespmem:s17+$0x20];
	[tilespmem:s18+$0x810 ss:$0x81] =	vst.msk $0xffff, v1  }
0x49: {  	s16 =	sshrl.u32 s16, $0x2;
	v1 =	vld [tilespmem:s17+$0xFFFFFFC0];
	[tilespmem:s18+$0x1020 ss:$0x81] =	vst.msk $0xffff, v5;
	s17 =	sadd.s32 $0x80, s17  }
0x4a: {  	s20 =	simm.s32 $0x4;
	s21 =	simm.s32 $0x8;
	s16 =	sor.u32 $0x8000, s16;
	[tilespmem:s18+$0x1830 ss:$0x81] =	vst.msk $0xffff, v6;
	v0 =	vld [tilespmem:s17+$0x30]  }
.LBB1_3:
0x4b: {  	p1 =	sne.s32 s21, $0x1FC;
	v5 =	vld [tilespmem:s17+$0xFFFFFFD0];
	[tilespmem:s18+$0x2040 ss:$0x81] =	vst.msk $0xffff, v4  }
0x4c: {  	v6 =	vld [tilespmem:s17+$0xFFFFFFE0];
	[tilespmem:s18+$0x2850 ss:$0x81] =	vst.msk $0xffff, v3  }
0x4d: {  	s22 =	sshra.s32 s20, $0x2;
	s20 =	smov.u32 s21;
	v7 =	vld [tilespmem:s17+$0xFFFFFFF0];
	[tilespmem:s18+$0x3060 ss:$0x81] =	vst.msk $0xffff, v2  }
.Ltmp3:
0x4e: {  	v4 =	vld [tilespmem:s17+$0x0];
	[tilespmem:s18+$0x0 ss:$0x81] =	vst.msk $0xffff, v1;
	s18 =	sadd.s32 s22, s19;
	(pc) =	sbr.rel @p1 .LBB1_3-.Ltmp3, $4  }
0x4f: {  	v3 =	vld [tilespmem:s17+$0x10];
	[tilespmem:s18+$0x3870 ss:$0x81] =	vst.msk $0xffff, v0  }
0x50: {  	[tilespmem:s18+$0x810 ss:$0x81] =	vst.msk $0xffff, v5;
	v2 =	vld [tilespmem:s17+$0x20]  }
0x51: {  	v1 =	vld [tilespmem:s17+$0xFFFFFFC0];
	[tilespmem:s18+$0x1020 ss:$0x81] =	vst.msk $0xffff, v6;
	s17 =	sadd.s32 $0x80, s17  }
0x52: {  	s21 =	sadd.s32 $0x4, s21;
	v0 =	vld [tilespmem:s17+$0x30];
	[tilespmem:s18+$0x1830 ss:$0x81] =	vst.msk $0xffff, v7  }
.Ltmp4:
0x53: {  	_ = 	snop;
	(pc) =	sbr.rel .LBB1_4-.Ltmp4, $1  }
0x54: {  	_ =	sdelay $0x3  }
.LBB1_6:
0x55: {  	_ =	sfence.sel $0x180000  }
0x56: {  	s2 =	simm.s32 $0x1;
	[bflag:$0x0] =	sbarrier.arrive $0xFFFF  }
0x57: {  	s31 =	simm.s32 $0x2;
	[sflag:s2] =	ssyncpa.u1 $0x1  }
0x58: {  	[sflag:s31] =	ssyncpa.u1 $0x1  }
0x59: {  	p0 =	sne.s32 s0, $0x0;
	_ =	strace $0x9000004A  }
0x5a: {  	s0 =	sadd.s32 @!p0 $0x100000, s1;
	[bflag:$0x2] =	sbarrier.arrive $0xFFFF  }
0x5b: {  	[sflag:s0] =	ssyncadd.tile.s32 @!p0 $0x1;
	_ =	shalt  }
.Lfunc_end1:
_tile_overlayer_lowered:
.L_overlay_start_2:
0x5c: {  	(tag) =	ssettag $0x2  }
0x5d: {  	s0 =	rddreg [dreg:$0x0];
	s2 =	stileid.u32  }
0x5e: {  	s1 =	rddreg [dreg:$0x1];
	p0 =	sne.s32 s2, $0x0  }
0x5f: {  	s3 =	rddreg [dreg:$0x2];
	[bflag:$0x3] =	sbarrier.arrive $0xFFFF;
	s2 =	simm.s32 @!p0 $0x1C01  }
0x60: {  	[timem:s3], [sflag:s2] =	dma.local @!p0 [hbm:s0], s1  }
0x61: {  	s0 =	simm.s32 @!p0 $0x1  }
0x62: {  	_ =	swait.ge @!p0 [sflag:s0], s1  }
0x63: {  	s1 =	ssub.s32 @!p0 $0x0, s1;
	[sflag:s0] =	ssyncset.done @!p0 $0x0  }
0x64: {  	[sflag:s0] =	ssyncadd.s32 @!p0 s1  }
0x65: {  	[bflag:$0x3] =	sbarrier.arrive $0xFFFF  }
0x66: {  	_ =	shalt  }

</sc_bundles>
